<compile_context>
chip_gen: v7x
topology: tpu7x:2x2x1
jax: 0.10.2.dev20260603
libtpu: 0.0.44.dev20260713+nightly
codegen_flags: <defaults>
</compile_context>

<pallas_src>
import jax
import jax.numpy as jnp
from jax import lax
from jax.experimental import pallas as pl
from jax.experimental.pallas import tpu as pltpu
from jax.experimental.pallas import tpu_sc as plsc

N_NODES = 10000
N_EDGES = 320000
H = 128

NC = 2
NS = 16
NW = NC * NS
CH = 128
NCHT = N_EDGES // CH
NRND = NCHT // NW
NRAG = NCHT - NRND * NW
N_PAD = 10240
RPT = N_PAD // NS
ZR = 128
NZ = RPT // ZR


NBUF = 2
NGRP = NRND // NBUF


def _sc_body(z_hbm, ei_hbm, ea_hbm, out_hbm,
             acc, ebuf, ibuf, csem, ssem):
    cid = lax.axis_index("c")
    sid = lax.axis_index("s")
    wid = cid * NS + sid

    def start_in(c, b):
        e0 = c * CH
        pltpu.async_copy(ea_hbm.at[pl.ds(e0, CH)], ebuf.at[b], csem.at[b])
        pltpu.async_copy(ei_hbm.at[:, pl.ds(e0, CH)], ibuf.at[b], csem.at[b])

    def wait_in(b):
        pltpu.make_async_copy(ea_hbm.at[pl.ds(0, CH)], ebuf.at[b],
                              csem.at[b]).wait()
        pltpu.make_async_copy(ei_hbm.at[:, pl.ds(0, CH)], ibuf.at[b],
                              csem.at[b]).wait()

    def wait_scat(b):
        pltpu.make_async_copy(ebuf.at[b], acc.at[ibuf.at[b, 0]],
                              ssem.at[b]).wait()
        pltpu.make_async_copy(ebuf.at[b], acc.at[ibuf.at[b, 1]],
                              ssem.at[b]).wait()

    start_in(wid, 0)
    pltpu.sync_copy(z_hbm, ebuf.at[1])
    for z in range(NZ):
        pltpu.async_copy(ebuf.at[1], acc.at[pl.ds(sid * RPT + z * ZR, ZR)],
                         ssem.at[1])
    for z in range(NZ):
        pltpu.make_async_copy(ebuf.at[1], acc.at[pl.ds(sid * RPT, ZR)],
                              ssem.at[1]).wait()
    plsc.subcore_barrier()

    def group(g, carry):
        for b in range(NBUF):
            k = g * NBUF + b
            bn = (b + 1) % NBUF
            wait_in(b)
            pltpu.async_copy(ebuf.at[b], acc.at[ibuf.at[b, 0]], ssem.at[b],
                             add=True)
            pltpu.async_copy(ebuf.at[b], acc.at[ibuf.at[b, 1]], ssem.at[b],
                             add=True)

            @pl.when(k >= NBUF - 1)
            def _():
                wait_scat(bn)

            @pl.when(k + 1 < NRND)
            def _():
                start_in((k + 1) * NW + wid, bn)
        return carry

    lax.fori_loop(0, NGRP, group, 0)

    @pl.when(wid < NRAG)
    def _():
        start_in(NRND * NW + wid, 0)

    wait_scat((NRND - 1) % NBUF)

    @pl.when(wid < NRAG)
    def _():
        wait_in(0)
        pltpu.async_copy(ebuf.at[0], acc.at[ibuf.at[0, 0]], ssem.at[0],
                         add=True)
        pltpu.async_copy(ebuf.at[0], acc.at[ibuf.at[0, 1]], ssem.at[0],
                         add=True)
        wait_scat(0)

    plsc.subcore_barrier()

    for z in range(NZ):
        s = z % NBUF
        r0 = sid * RPT + z * ZR
        if z >= NBUF:
            rp = sid * RPT + (z - NBUF) * ZR
            pltpu.make_async_copy(
                ebuf.at[s], out_hbm.at[cid, pl.ds(rp, ZR)], csem.at[s]).wait()
        pltpu.sync_copy(acc.at[pl.ds(r0, ZR)], ebuf.at[s])
        pltpu.async_copy(ebuf.at[s], out_hbm.at[cid, pl.ds(r0, ZR)],
                         csem.at[s])
    for z in range(NZ - NBUF, NZ):
        s = z % NBUF
        r0 = sid * RPT + z * ZR
        pltpu.make_async_copy(
            ebuf.at[s], out_hbm.at[cid, pl.ds(r0, ZR)], csem.at[s]).wait()


_sc_scatter = pl.kernel(
    _sc_body,
    out_type=jax.ShapeDtypeStruct((NC, N_PAD, H), jnp.float32),
    mesh=plsc.VectorSubcoreMesh(core_axis_name="c", subcore_axis_name="s"),
    scratch_types=[
        pltpu.VMEM_SHARED((N_PAD, H), jnp.float32),
        pltpu.VMEM((NBUF, CH, H), jnp.float32),
        pltpu.VMEM((NBUF, 2, CH), jnp.int32),
        pltpu.SemaphoreType.DMA((NBUF,)),
        pltpu.SemaphoreType.DMA((NBUF,)),
    ],
)


BR = 2000


_DN = (((1,), (1,)), ((), ()))


def _mlp_body(x_ref, p_ref, w1_ref, b1_ref, w2_ref, b2_ref, o_ref):
    aggr = p_ref[0] + p_ref[1]
    h = lax.dot_general(x_ref[...], w1_ref[..., :H], _DN,
                        preferred_element_type=jnp.float32)
    h = h + lax.dot_general(aggr, w1_ref[..., H:], _DN,
                            preferred_element_type=jnp.float32)
    h = jnp.maximum(h + b1_ref[...], 0.0)
    o_ref[...] = (
        lax.dot_general(h, w2_ref[...], _DN,
                        preferred_element_type=jnp.float32)
        + b2_ref[...]
    )


_mlp = pl.pallas_call(
    _mlp_body,
    grid=(N_NODES // BR,),
    in_specs=[
        pl.BlockSpec((BR, H), lambda i: (i, 0)),
        pl.BlockSpec((NC, BR, H), lambda i: (0, i, 0)),
        pl.BlockSpec((H, 2 * H), lambda i: (0, 0)),
        pl.BlockSpec((1, H), lambda i: (0, 0)),
        pl.BlockSpec((H, H), lambda i: (0, 0)),
        pl.BlockSpec((1, H), lambda i: (0, 0)),
    ],
    out_specs=pl.BlockSpec((BR, H), lambda i: (i, 0)),
    out_shape=jax.ShapeDtypeStruct((N_NODES, H), jnp.float32),
)


def kernel(x, edge_index, edge_attr, W1, b1, W2, b2):
    ei32 = edge_index.astype(jnp.int32)
    zeros = jnp.zeros((ZR, H), jnp.float32)
    partials = _sc_scatter(zeros, ei32, edge_attr)
    return _mlp(x, partials, W1, b1[None, :], W2, b2[None, :])

# --- scband reference (transcript-rebuilt; emitter-appended) ---
"""Pipeline reference for scband-color-node-model-2843268350529 (READ-ONLY COPY).

The authoritative reference and input builder live on the scoring server;
editing this copy changes nothing except your own understanding.
"""

import jax, jax.numpy as jnp
import numpy as np

N_NODES = 10000
N_EDGES = 320000
HIDDEN = 128

def setup_inputs(seed: int = 0) -> dict:
    key = jax.random.key(seed)
    k1, k2, k3, k4, k5, k6 = jax.random.split(key, 6)
    x = jax.random.normal(k1, (N_NODES, HIDDEN), dtype=jnp.float32)
    edge_index = jax.random.randint(k2, (2, N_EDGES), 0, N_NODES, dtype=jnp.int64)
    edge_attr = jax.random.normal(k3, (N_EDGES, HIDDEN), dtype=jnp.float32)
    # node_mlp params: Linear(2H -> H), ReLU, Linear(H -> H); torch Linear weight is [out, in]
    W1 = jax.random.normal(k4, (HIDDEN, HIDDEN * 2), dtype=jnp.float32) * (1.0 / np.sqrt(HIDDEN * 2))
    b1 = jnp.zeros((HIDDEN,), dtype=jnp.float32)
    W2 = jax.random.normal(k5, (HIDDEN, HIDDEN), dtype=jnp.float32) * (1.0 / np.sqrt(HIDDEN))
    b2 = jnp.zeros((HIDDEN,), dtype=jnp.float32)
    return {"x": x, "edge_index": edge_index, "edge_attr": edge_attr,
            "W1": W1, "b1": b1, "W2": W2, "b2": b2}

def reference(x, edge_index, edge_attr, W1, b1, W2, b2):
    row = edge_index[0]
    col = edge_index[1]
    edge_aggr = jnp.zeros((x.shape[0], edge_attr.shape[1]), dtype=x.dtype)
    edge_aggr = edge_aggr.at[row].add(edge_attr)
    edge_aggr = edge_aggr.at[col].add(edge_attr)
    node_features = jnp.concatenate([x, edge_aggr], axis=1)
    h = jax.nn.relu(node_features @ W1.T + b1)
    out = h @ W2.T + b2
    return out

if __name__ == "__main__":
    import jax
    _d = setup_inputs()
    print(jax.jit(kernel)(*tuple(_d.values())))

</pallas_src>

<mosaic_0001>
#map = affine_map<(d0, d1) -> (0, 0)>
#map1 = affine_map<(d0, d1) -> (0, 0, 0)>
module attributes {stable_mosaic.version = 14 : i64} {
  func.func @_sc_body(%arg0: i32, %arg1: i32, %arg2: memref<128x128xf32, #tpu.memory_space<hbm>>, %arg3: memref<2x320000xi32, #tpu.memory_space<hbm>>, %arg4: memref<320000x128xf32, #tpu.memory_space<hbm>>, %arg5: memref<2x10240x128xf32, #tpu.memory_space<hbm>>, %arg6: memref<10240x128xf32, #tpu.memory_space<vmem_shared>>, %arg7: memref<2x128x128xf32, #tpu.memory_space<vmem>>, %arg8: memref<2x2x128xi32, #tpu.memory_space<vmem>>, %arg9: memref<2x!tpu.dma_semaphore, #tpu.memory_space<semaphore_mem>>, %arg10: memref<2x!tpu.dma_semaphore, #tpu.memory_space<semaphore_mem>>) attributes {dimension_semantics = [#tpu.dimension_semantics<core_parallel>, #tpu.dimension_semantics<subcore_parallel>], iteration_bounds = array<i64: 2, 16>, scalar_prefetch = 0 : i64, scratch_operands = 5 : i64, tpu.core_type = #tpu.core_type<sc_vector_subcore>, window_params = [{transform_indices = #map}, {transform_indices = #map}, {transform_indices = #map}, {transform_indices = #map1}]} {
    %mul3A = arith.constant 16 : i32
    %mul3A_0 = arith.muli %arg0, %mul3A : i32
    %add3A = arith.addi %mul3A_0, %arg1 : i32
    %mul3A_1 = arith.constant 128 : i32
    %mul3A_2 = arith.muli %add3A, %mul3A_1 : i32
    %dma_start3A = arith.constant 0 : i32
    %dma_start3A_3 = arith.constant 0 : i32
    %dma_start3A_4 = arith.constant 0 : i32
    %dma_start3A_5 = arith.constant 0 : i32
    %dma_start3A_6 = tpu.memref_slice %arg7[%dma_start3A, %dma_start3A_4, %dma_start3A_5] : memref<2x128x128xf32, #tpu.memory_space<vmem>> -> memref<1x128x128xf32, #tpu.memory_space<vmem>>
    %dma_start3A_7 = tpu.memref_squeeze %dma_start3A_6 : memref<1x128x128xf32, #tpu.memory_space<vmem>> -> memref<128x128xf32, #tpu.memory_space<vmem>>
    %dma_start3A_8 = arith.constant 0 : i32
    %dma_start3A_9 = tpu.memref_slice %arg4[%mul3A_2, %dma_start3A_8] : memref<320000x128xf32, #tpu.memory_space<hbm>> -> memref<128x128xf32, #tpu.memory_space<hbm>>
    %dma_start3A_10 = tpu.memref_slice %arg9[%dma_start3A_3] : memref<2x!tpu.dma_semaphore, #tpu.memory_space<semaphore_mem>> -> memref<1x!tpu.dma_semaphore, #tpu.memory_space<semaphore_mem>>
    %dma_start3A_11 = tpu.memref_squeeze %dma_start3A_10 : memref<1x!tpu.dma_semaphore, #tpu.memory_space<semaphore_mem>> -> memref<!tpu.dma_semaphore, #tpu.memory_space<semaphore_mem>>
    %dma_start3A_12 = arith.constant 0 : i32
    %dma_start3A_13 = arith.constant 0 : i32
    %dma_start3A_14 = tpu.memref_slice %arg7[%dma_start3A, %dma_start3A_12, %dma_start3A_13] : memref<2x128x128xf32, #tpu.memory_space<vmem>> -> memref<1x128x128xf32, #tpu.memory_space<vmem>>
    %dma_start3A_15 = tpu.memref_squeeze %dma_start3A_14 : memref<1x128x128xf32, #tpu.memory_space<vmem>> -> memref<128x128xf32, #tpu.memory_space<vmem>>
    %dma_start3A_16 = arith.constant 0 : i32
    %dma_start3A_17 = tpu.memref_slice %arg4[%mul3A_2, %dma_start3A_16] : memref<320000x128xf32, #tpu.memory_space<hbm>> -> memref<128x128xf32, #tpu.memory_space<hbm>>
    tpu.enqueue_dma source(%dma_start3A_17 : memref<128x128xf32, #tpu.memory_space<hbm>>) target(%dma_start3A_15 : memref<128x128xf32, #tpu.memory_space<vmem>>) target_semaphore(%dma_start3A_11 : memref<!tpu.dma_semaphore, #tpu.memory_space<semaphore_mem>>)
    %dma_start3A_18 = arith.constant 0 : i32
    %dma_start3A_19 = arith.constant 0 : i32
    %dma_start3A_20 = arith.constant 0 : i32
    %dma_start3A_21 = arith.constant 0 : i32
    %dma_start3A_22 = tpu.memref_slice %arg8[%dma_start3A_18, %dma_start3A_20, %dma_start3A_21] : memref<2x2x128xi32, #tpu.memory_space<vmem>> -> memref<1x2x128xi32, #tpu.memory_space<vmem>>
    %dma_start3A_23 = tpu.memref_squeeze %dma_start3A_22 : memref<1x2x128xi32, #tpu.memory_space<vmem>> -> memref<2x128xi32, #tpu.memory_space<vmem>>
    %dma_start3A_24 = arith.constant 0 : i32
    %dma_start3A_25 = tpu.memref_slice %arg3[%dma_start3A_24, %mul3A_2] : memref<2x320000xi32, #tpu.memory_space<hbm>> -> memref<2x128xi32, #tpu.memory_space<hbm>>
    %dma_start3A_26 = tpu.memref_slice %arg9[%dma_start3A_19] : memref<2x!tpu.dma_semaphore, #tpu.memory_space<semaphore_mem>> -> memref<1x!tpu.dma_semaphore, #tpu.memory_space<semaphore_mem>>
    %dma_start3A_27 = tpu.memref_squeeze %dma_start3A_26 : memref<1x!tpu.dma_semaphore, #tpu.memory_space<semaphore_mem>> -> memref<!tpu.dma_semaphore, #tpu.memory_space<semaphore_mem>>
    %dma_start3A_28 = arith.constant 0 : i32
    %dma_start3A_29 = arith.constant 0 : i32
    %dma_start3A_30 = tpu.memref_slice %arg8[%dma_start3A_18, %dma_start3A_28, %dma_start3A_29] : memref<2x2x128xi32, #tpu.memory_space<vmem>> -> memref<1x2x128xi32, #tpu.memory_space<vmem>>
    %dma_start3A_31 = tpu.memref_squeeze %dma_start3A_30 : memref<1x2x128xi32, #tpu.memory_space<vmem>> -> memref<2x128xi32, #tpu.memory_space<vmem>>
    %dma_start3A_32 = arith.constant 0 : i32
    %dma_start3A_33 = tpu.memref_slice %arg3[%dma_start3A_32, %mul3A_2] : memref<2x320000xi32, #tpu.memory_space<hbm>> -> memref<2x128xi32, #tpu.memory_space<hbm>>
    tpu.enqueue_dma source(%dma_start3A_33 : memref<2x128xi32, #tpu.memory_space<hbm>>) target(%dma_start3A_31 : memref<2x128xi32, #tpu.memory_space<vmem>>) target_semaphore(%dma_start3A_27 : memref<!tpu.dma_semaphore, #tpu.memory_space<semaphore_mem>>)
    %run_scoped3A = arith.constant 1 : i32
    "tpu.region"() ({
      %run_scoped3A_493 = tpu.sem_alloc : memref<!tpu.dma_semaphore, #tpu.memory_space<semaphore_mem>>
      %dma_start3A_494 = arith.constant 0 : i32
      %dma_start3A_495 = arith.constant 0 : i32
      %dma_start3A_496 = tpu.memref_slice %arg7[%run_scoped3A, %dma_start3A_494, %dma_start3A_495] : memref<2x128x128xf32, #tpu.memory_space<vmem>> -> memref<1x128x128xf32, #tpu.memory_space<vmem>>
      %dma_start3A_497 = tpu.memref_squeeze %dma_start3A_496 : memref<1x128x128xf32, #tpu.memory_space<vmem>> -> memref<128x128xf32, #tpu.memory_space<vmem>>
      %dma_start3A_498 = arith.constant 0 : i32
      %dma_start3A_499 = arith.constant 0 : i32
      %dma_start3A_500 = tpu.memref_slice %arg7[%run_scoped3A, %dma_start3A_498, %dma_start3A_499] : memref<2x128x128xf32, #tpu.memory_space<vmem>> -> memref<1x128x128xf32, #tpu.memory_space<vmem>>
      %dma_start3A_501 = tpu.memref_squeeze %dma_start3A_500 : memref<1x128x128xf32, #tpu.memory_space<vmem>> -> memref<128x128xf32, #tpu.memory_space<vmem>>
      tpu.enqueue_dma source(%arg2 : memref<128x128xf32, #tpu.memory_space<hbm>>) target(%dma_start3A_501 : memref<128x128xf32, #tpu.memory_space<vmem>>) target_semaphore(%run_scoped3A_493 : memref<!tpu.dma_semaphore, #tpu.memory_space<semaphore_mem>>)
      %dma_wait3A_502 = arith.constant 0 : i32
      %dma_wait3A_503 = arith.constant 0 : i32
      %dma_wait3A_504 = tpu.memref_slice %arg7[%run_scoped3A, %dma_wait3A_502, %dma_wait3A_503] : memref<2x128x128xf32, #tpu.memory_space<vmem>> -> memref<1x128x128xf32, #tpu.memory_space<vmem>>
      %dma_wait3A_505 = tpu.memref_squeeze %dma_wait3A_504 : memref<1x128x128xf32, #tpu.memory_space<vmem>> -> memref<128x128xf32, #tpu.memory_space<vmem>>
      %dma_wait3A_506 = arith.constant 0 : i32
      %dma_wait3A_507 = arith.constant 0 : i32
      %dma_wait3A_508 = tpu.memref_slice %arg7[%run_scoped3A, %dma_wait3A_506, %dma_wait3A_507] : memref<2x128x128xf32, #tpu.memory_space<vmem>> -> memref<1x128x128xf32, #tpu.memory_space<vmem>>
      %dma_wait3A_509 = tpu.memref_squeeze %dma_wait3A_508 : memref<1x128x128xf32, #tpu.memory_space<vmem>> -> memref<128x128xf32, #tpu.memory_space<vmem>>
      tpu.wait_dma2 semaphore(%run_scoped3A_493 : memref<!tpu.dma_semaphore, #tpu.memory_space<semaphore_mem>>) src(%arg2 : memref<128x128xf32, #tpu.memory_space<hbm>>) dst(%dma_wait3A_509 : memref<128x128xf32, #tpu.memory_space<vmem>>)
      tpu.yield
    }) : () -> ()
    %mul3A_34 = arith.constant 640 : i32
    %mul3A_35 = arith.muli %arg1, %mul3A_34 : i32
    %add3A_36 = arith.constant 0 : i32
    %add3A_37 = arith.addi %mul3A_35, %add3A_36 : i32
    %dma_start3A_38 = arith.constant 1 : i32
    %dma_start3A_39 = arith.constant 1 : i32
    %dma_start3A_40 = arith.constant 0 : i32
    %dma_start3A_41 = arith.constant 0 : i32
    %dma_start3A_42 = tpu.memref_slice %arg7[%dma_start3A_38, %dma_start3A_40, %dma_start3A_41] : memref<2x128x128xf32, #tpu.memory_space<vmem>> -> memref<1x128x128xf32, #tpu.memory_space<vmem>>
    %dma_start3A_43 = tpu.memref_squeeze %dma_start3A_42 : memref<1x128x128xf32, #tpu.memory_space<vmem>> -> memref<128x128xf32, #tpu.memory_space<vmem>>
    %dma_start3A_44 = arith.constant 0 : i32
    %dma_start3A_45 = tpu.memref_slice %arg6[%add3A_37, %dma_start3A_44] : memref<10240x128xf32, #tpu.memory_space<vmem_shared>> -> memref<128x128xf32, #tpu.memory_space<vmem_shared>>
    %dma_start3A_46 = tpu.memref_slice %arg10[%dma_start3A_39] : memref<2x!tpu.dma_semaphore, #tpu.memory_space<semaphore_mem>> -> memref<1x!tpu.dma_semaphore, #tpu.memory_space<semaphore_mem>>
    %dma_start3A_47 = tpu.memref_squeeze %dma_start3A_46 : memref<1x!tpu.dma_semaphore, #tpu.memory_space<semaphore_mem>> -> memref<!tpu.dma_semaphore, #tpu.memory_space<semaphore_mem>>
    %dma_start3A_48 = arith.constant 0 : i32
    %dma_start3A_49 = tpu.memref_slice %arg6[%add3A_37, %dma_start3A_48] : memref<10240x128xf32, #tpu.memory_space<vmem_shared>> -> memref<128x128xf32, #tpu.memory_space<vmem_shared>>
    %dma_start3A_50 = arith.constant 0 : i32
    %dma_start3A_51 = arith.constant 0 : i32
    %dma_start3A_52 = tpu.memref_slice %arg7[%dma_start3A_38, %dma_start3A_50, %dma_start3A_51] : memref<2x128x128xf32, #tpu.memory_space<vmem>> -> memref<1x128x128xf32, #tpu.memory_space<vmem>>
    %dma_start3A_53 = tpu.memref_squeeze %dma_start3A_52 : memref<1x128x128xf32, #tpu.memory_space<vmem>> -> memref<128x128xf32, #tpu.memory_space<vmem>>
    tpu.enqueue_dma source(%dma_start3A_53 : memref<128x128xf32, #tpu.memory_space<vmem>>) target(%dma_start3A_49 : memref<128x128xf32, #tpu.memory_space<vmem_shared>>) target_semaphore(%dma_start3A_47 : memref<!tpu.dma_semaphore, #tpu.memory_space<semaphore_mem>>)
    %mul3A_54 = arith.constant 640 : i32
    %mul3A_55 = arith.muli %arg1, %mul3A_54 : i32
    %add3A_56 = arith.constant 128 : i32
    %add3A_57 = arith.addi %mul3A_55, %add3A_56 : i32
    %dma_start3A_58 = arith.constant 1 : i32
    %dma_start3A_59 = arith.constant 1 : i32
    %dma_start3A_60 = arith.constant 0 : i32
    %dma_start3A_61 = arith.constant 0 : i32
    %dma_start3A_62 = tpu.memref_slice %arg7[%dma_start3A_58, %dma_start3A_60, %dma_start3A_61] : memref<2x128x128xf32, #tpu.memory_space<vmem>> -> memref<1x128x128xf32, #tpu.memory_space<vmem>>
    %dma_start3A_63 = tpu.memref_squeeze %dma_start3A_62 : memref<1x128x128xf32, #tpu.memory_space<vmem>> -> memref<128x128xf32, #tpu.memory_space<vmem>>
    %dma_start3A_64 = arith.constant 0 : i32
    %dma_start3A_65 = tpu.memref_slice %arg6[%add3A_57, %dma_start3A_64] : memref<10240x128xf32, #tpu.memory_space<vmem_shared>> -> memref<128x128xf32, #tpu.memory_space<vmem_shared>>
    %dma_start3A_66 = tpu.memref_slice %arg10[%dma_start3A_59] : memref<2x!tpu.dma_semaphore, #tpu.memory_space<semaphore_mem>> -> memref<1x!tpu.dma_semaphore, #tpu.memory_space<semaphore_mem>>
    %dma_start3A_67 = tpu.memref_squeeze %dma_start3A_66 : memref<1x!tpu.dma_semaphore, #tpu.memory_space<semaphore_mem>> -> memref<!tpu.dma_semaphore, #tpu.memory_space<semaphore_mem>>
    %dma_start3A_68 = arith.constant 0 : i32
    %dma_start3A_69 = tpu.memref_slice %arg6[%add3A_57, %dma_start3A_68] : memref<10240x128xf32, #tpu.memory_space<vmem_shared>> -> memref<128x128xf32, #tpu.memory_space<vmem_shared>>
    %dma_start3A_70 = arith.constant 0 : i32
    %dma_start3A_71 = arith.constant 0 : i32
    %dma_start3A_72 = tpu.memref_slice %arg7[%dma_start3A_58, %dma_start3A_70, %dma_start3A_71] : memref<2x128x128xf32, #tpu.memory_space<vmem>> -> memref<1x128x128xf32, #tpu.memory_space<vmem>>
    %dma_start3A_73 = tpu.memref_squeeze %dma_start3A_72 : memref<1x128x128xf32, #tpu.memory_space<vmem>> -> memref<128x128xf32, #tpu.memory_space<vmem>>
    tpu.enqueue_dma source(%dma_start3A_73 : memref<128x128xf32, #tpu.memory_space<vmem>>) target(%dma_start3A_69 : memref<128x128xf32, #tpu.memory_space<vmem_shared>>) target_semaphore(%dma_start3A_67 : memref<!tpu.dma_semaphore, #tpu.memory_space<semaphore_mem>>)
    %mul3A_74 = arith.constant 640 : i32
    %mul3A_75 = arith.muli %arg1, %mul3A_74 : i32
    %add3A_76 = arith.constant 256 : i32
    %add3A_77 = arith.addi %mul3A_75, %add3A_76 : i32
    %dma_start3A_78 = arith.constant 1 : i32
    %dma_start3A_79 = arith.constant 1 : i32
    %dma_start3A_80 = arith.constant 0 : i32
    %dma_start3A_81 = arith.constant 0 : i32
    %dma_start3A_82 = tpu.memref_slice %arg7[%dma_start3A_78, %dma_start3A_80, %dma_start3A_81] : memref<2x128x128xf32, #tpu.memory_space<vmem>> -> memref<1x128x128xf32, #tpu.memory_space<vmem>>
    %dma_start3A_83 = tpu.memref_squeeze %dma_start3A_82 : memref<1x128x128xf32, #tpu.memory_space<vmem>> -> memref<128x128xf32, #tpu.memory_space<vmem>>
    %dma_start3A_84 = arith.constant 0 : i32
    %dma_start3A_85 = tpu.memref_slice %arg6[%add3A_77, %dma_start3A_84] : memref<10240x128xf32, #tpu.memory_space<vmem_shared>> -> memref<128x128xf32, #tpu.memory_space<vmem_shared>>
    %dma_start3A_86 = tpu.memref_slice %arg10[%dma_start3A_79] : memref<2x!tpu.dma_semaphore, #tpu.memory_space<semaphore_mem>> -> memref<1x!tpu.dma_semaphore, #tpu.memory_space<semaphore_mem>>
    %dma_start3A_87 = tpu.memref_squeeze %dma_start3A_86 : memref<1x!tpu.dma_semaphore, #tpu.memory_space<semaphore_mem>> -> memref<!tpu.dma_semaphore, #tpu.memory_space<semaphore_mem>>
    %dma_start3A_88 = arith.constant 0 : i32
    %dma_start3A_89 = tpu.memref_slice %arg6[%add3A_77, %dma_start3A_88] : memref<10240x128xf32, #tpu.memory_space<vmem_shared>> -> memref<128x128xf32, #tpu.memory_space<vmem_shared>>
    %dma_start3A_90 = arith.constant 0 : i32
    %dma_start3A_91 = arith.constant 0 : i32
    %dma_start3A_92 = tpu.memref_slice %arg7[%dma_start3A_78, %dma_start3A_90, %dma_start3A_91] : memref<2x128x128xf32, #tpu.memory_space<vmem>> -> memref<1x128x128xf32, #tpu.memory_space<vmem>>
    %dma_start3A_93 = tpu.memref_squeeze %dma_start3A_92 : memref<1x128x128xf32, #tpu.memory_space<vmem>> -> memref<128x128xf32, #tpu.memory_space<vmem>>
    tpu.enqueue_dma source(%dma_start3A_93 : memref<128x128xf32, #tpu.memory_space<vmem>>) target(%dma_start3A_89 : memref<128x128xf32, #tpu.memory_space<vmem_shared>>) target_semaphore(%dma_start3A_87 : memref<!tpu.dma_semaphore, #tpu.memory_space<semaphore_mem>>)
    %mul3A_94 = arith.constant 640 : i32
    %mul3A_95 = arith.muli %arg1, %mul3A_94 : i32
    %add3A_96 = arith.constant 384 : i32
    %add3A_97 = arith.addi %mul3A_95, %add3A_96 : i32
    %dma_start3A_98 = arith.constant 1 : i32
    %dma_start3A_99 = arith.constant 1 : i32
    %dma_start3A_100 = arith.constant 0 : i32
    %dma_start3A_101 = arith.constant 0 : i32
    %dma_start3A_102 = tpu.memref_slice %arg7[%dma_start3A_98, %dma_start3A_100, %dma_start3A_101] : memref<2x128x128xf32, #tpu.memory_space<vmem>> -> memref<1x128x128xf32, #tpu.memory_space<vmem>>
    %dma_start3A_103 = tpu.memref_squeeze %dma_start3A_102 : memref<1x128x128xf32, #tpu.memory_space<vmem>> -> memref<128x128xf32, #tpu.memory_space<vmem>>
    %dma_start3A_104 = arith.constant 0 : i32
    %dma_start3A_105 = tpu.memref_slice %arg6[%add3A_97, %dma_start3A_104] : memref<10240x128xf32, #tpu.memory_space<vmem_shared>> -> memref<128x128xf32, #tpu.memory_space<vmem_shared>>
    %dma_start3A_106 = tpu.memref_slice %arg10[%dma_start3A_99] : memref<2x!tpu.dma_semaphore, #tpu.memory_space<semaphore_mem>> -> memref<1x!tpu.dma_semaphore, #tpu.memory_space<semaphore_mem>>
    %dma_start3A_107 = tpu.memref_squeeze %dma_start3A_106 : memref<1x!tpu.dma_semaphore, #tpu.memory_space<semaphore_mem>> -> memref<!tpu.dma_semaphore, #tpu.memory_space<semaphore_mem>>
    %dma_start3A_108 = arith.constant 0 : i32
    %dma_start3A_109 = tpu.memref_slice %arg6[%add3A_97, %dma_start3A_108] : memref<10240x128xf32, #tpu.memory_space<vmem_shared>> -> memref<128x128xf32, #tpu.memory_space<vmem_shared>>
    %dma_start3A_110 = arith.constant 0 : i32
    %dma_start3A_111 = arith.constant 0 : i32
    %dma_start3A_112 = tpu.memref_slice %arg7[%dma_start3A_98, %dma_start3A_110, %dma_start3A_111] : memref<2x128x128xf32, #tpu.memory_space<vmem>> -> memref<1x128x128xf32, #tpu.memory_space<vmem>>
    %dma_start3A_113 = tpu.memref_squeeze %dma_start3A_112 : memref<1x128x128xf32, #tpu.memory_space<vmem>> -> memref<128x128xf32, #tpu.memory_space<vmem>>
    tpu.enqueue_dma source(%dma_start3A_113 : memref<128x128xf32, #tpu.memory_space<vmem>>) target(%dma_start3A_109 : memref<128x128xf32, #tpu.memory_space<vmem_shared>>) target_semaphore(%dma_start3A_107 : memref<!tpu.dma_semaphore, #tpu.memory_space<semaphore_mem>>)
    %mul3A_114 = arith.constant 640 : i32
    %mul3A_115 = arith.muli %arg1, %mul3A_114 : i32
    %add3A_116 = arith.constant 512 : i32
    %add3A_117 = arith.addi %mul3A_115, %add3A_116 : i32
    %dma_start3A_118 = arith.constant 1 : i32
    %dma_start3A_119 = arith.constant 1 : i32
    %dma_start3A_120 = arith.constant 0 : i32
    %dma_start3A_121 = arith.constant 0 : i32
    %dma_start3A_122 = tpu.memref_slice %arg7[%dma_start3A_118, %dma_start3A_120, %dma_start3A_121] : memref<2x128x128xf32, #tpu.memory_space<vmem>> -> memref<1x128x128xf32, #tpu.memory_space<vmem>>
    %dma_start3A_123 = tpu.memref_squeeze %dma_start3A_122 : memref<1x128x128xf32, #tpu.memory_space<vmem>> -> memref<128x128xf32, #tpu.memory_space<vmem>>
    %dma_start3A_124 = arith.constant 0 : i32
    %dma_start3A_125 = tpu.memref_slice %arg6[%add3A_117, %dma_start3A_124] : memref<10240x128xf32, #tpu.memory_space<vmem_shared>> -> memref<128x128xf32, #tpu.memory_space<vmem_shared>>
    %dma_start3A_126 = tpu.memref_slice %arg10[%dma_start3A_119] : memref<2x!tpu.dma_semaphore, #tpu.memory_space<semaphore_mem>> -> memref<1x!tpu.dma_semaphore, #tpu.memory_space<semaphore_mem>>
    %dma_start3A_127 = tpu.memref_squeeze %dma_start3A_126 : memref<1x!tpu.dma_semaphore, #tpu.memory_space<semaphore_mem>> -> memref<!tpu.dma_semaphore, #tpu.memory_space<semaphore_mem>>
    %dma_start3A_128 = arith.constant 0 : i32
    %dma_start3A_129 = tpu.memref_slice %arg6[%add3A_117, %dma_start3A_128] : memref<10240x128xf32, #tpu.memory_space<vmem_shared>> -> memref<128x128xf32, #tpu.memory_space<vmem_shared>>
    %dma_start3A_130 = arith.constant 0 : i32
    %dma_start3A_131 = arith.constant 0 : i32
    %dma_start3A_132 = tpu.memref_slice %arg7[%dma_start3A_118, %dma_start3A_130, %dma_start3A_131] : memref<2x128x128xf32, #tpu.memory_space<vmem>> -> memref<1x128x128xf32, #tpu.memory_space<vmem>>
    %dma_start3A_133 = tpu.memref_squeeze %dma_start3A_132 : memref<1x128x128xf32, #tpu.memory_space<vmem>> -> memref<128x128xf32, #tpu.memory_space<vmem>>
    tpu.enqueue_dma source(%dma_start3A_133 : memref<128x128xf32, #tpu.memory_space<vmem>>) target(%dma_start3A_129 : memref<128x128xf32, #tpu.memory_space<vmem_shared>>) target_semaphore(%dma_start3A_127 : memref<!tpu.dma_semaphore, #tpu.memory_space<semaphore_mem>>)
    %mul3A_134 = arith.constant 640 : i32
    %mul3A_135 = arith.muli %arg1, %mul3A_134 : i32
    %dma_wait3A = arith.constant 1 : i32
    %dma_wait3A_136 = arith.constant 1 : i32
    %dma_wait3A_137 = arith.constant 0 : i32
    %dma_wait3A_138 = arith.constant 0 : i32
    %dma_wait3A_139 = tpu.memref_slice %arg7[%dma_wait3A, %dma_wait3A_137, %dma_wait3A_138] : memref<2x128x128xf32, #tpu.memory_space<vmem>> -> memref<1x128x128xf32, #tpu.memory_space<vmem>>
    %dma_wait3A_140 = tpu.memref_squeeze %dma_wait3A_139 : memref<1x128x128xf32, #tpu.memory_space<vmem>> -> memref<128x128xf32, #tpu.memory_space<vmem>>
    %dma_wait3A_141 = arith.constant 0 : i32
    %dma_wait3A_142 = tpu.memref_slice %arg6[%mul3A_135, %dma_wait3A_141] : memref<10240x128xf32, #tpu.memory_space<vmem_shared>> -> memref<128x128xf32, #tpu.memory_space<vmem_shared>>
    %dma_wait3A_143 = tpu.memref_slice %arg10[%dma_wait3A_136] : memref<2x!tpu.dma_semaphore, #tpu.memory_space<semaphore_mem>> -> memref<1x!tpu.dma_semaphore, #tpu.memory_space<semaphore_mem>>
    %dma_wait3A_144 = tpu.memref_squeeze %dma_wait3A_143 : memref<1x!tpu.dma_semaphore, #tpu.memory_space<semaphore_mem>> -> memref<!tpu.dma_semaphore, #tpu.memory_space<semaphore_mem>>
    %dma_wait3A_145 = arith.constant 0 : i32
    %dma_wait3A_146 = tpu.memref_slice %arg6[%mul3A_135, %dma_wait3A_145] : memref<10240x128xf32, #tpu.memory_space<vmem_shared>> -> memref<128x128xf32, #tpu.memory_space<vmem_shared>>
    %dma_wait3A_147 = arith.constant 0 : i32
    %dma_wait3A_148 = arith.constant 0 : i32
    %dma_wait3A_149 = tpu.memref_slice %arg7[%dma_wait3A, %dma_wait3A_147, %dma_wait3A_148] : memref<2x128x128xf32, #tpu.memory_space<vmem>> -> memref<1x128x128xf32, #tpu.memory_space<vmem>>
    %dma_wait3A_150 = tpu.memref_squeeze %dma_wait3A_149 : memref<1x128x128xf32, #tpu.memory_space<vmem>> -> memref<128x128xf32, #tpu.memory_space<vmem>>
    tpu.wait_dma2 semaphore(%dma_wait3A_144 : memref<!tpu.dma_semaphore, #tpu.memory_space<semaphore_mem>>) src(%dma_wait3A_150 : memref<128x128xf32, #tpu.memory_space<vmem>>) dst(%dma_wait3A_146 : memref<128x128xf32, #tpu.memory_space<vmem_shared>>)
    %mul3A_151 = arith.constant 640 : i32
    %mul3A_152 = arith.muli %arg1, %mul3A_151 : i32
    %dma_wait3A_153 = arith.constant 1 : i32
    %dma_wait3A_154 = arith.constant 1 : i32
    %dma_wait3A_155 = arith.constant 0 : i32
    %dma_wait3A_156 = arith.constant 0 : i32
    %dma_wait3A_157 = tpu.memref_slice %arg7[%dma_wait3A_153, %dma_wait3A_155, %dma_wait3A_156] : memref<2x128x128xf32, #tpu.memory_space<vmem>> -> memref<1x128x128xf32, #tpu.memory_space<vmem>>
    %dma_wait3A_158 = tpu.memref_squeeze %dma_wait3A_157 : memref<1x128x128xf32, #tpu.memory_space<vmem>> -> memref<128x128xf32, #tpu.memory_space<vmem>>
    %dma_wait3A_159 = arith.constant 0 : i32
    %dma_wait3A_160 = tpu.memref_slice %arg6[%mul3A_152, %dma_wait3A_159] : memref<10240x128xf32, #tpu.memory_space<vmem_shared>> -> memref<128x128xf32, #tpu.memory_space<vmem_shared>>
    %dma_wait3A_161 = tpu.memref_slice %arg10[%dma_wait3A_154] : memref<2x!tpu.dma_semaphore, #tpu.memory_space<semaphore_mem>> -> memref<1x!tpu.dma_semaphore, #tpu.memory_space<semaphore_mem>>
    %dma_wait3A_162 = tpu.memref_squeeze %dma_wait3A_161 : memref<1x!tpu.dma_semaphore, #tpu.memory_space<semaphore_mem>> -> memref<!tpu.dma_semaphore, #tpu.memory_space<semaphore_mem>>
    %dma_wait3A_163 = arith.constant 0 : i32
    %dma_wait3A_164 = tpu.memref_slice %arg6[%mul3A_152, %dma_wait3A_163] : memref<10240x128xf32, #tpu.memory_space<vmem_shared>> -> memref<128x128xf32, #tpu.memory_space<vmem_shared>>
    %dma_wait3A_165 = arith.constant 0 : i32
    %dma_wait3A_166 = arith.constant 0 : i32
    %dma_wait3A_167 = tpu.memref_slice %arg7[%dma_wait3A_153, %dma_wait3A_165, %dma_wait3A_166] : memref<2x128x128xf32, #tpu.memory_space<vmem>> -> memref<1x128x128xf32, #tpu.memory_space<vmem>>
    %dma_wait3A_168 = tpu.memref_squeeze %dma_wait3A_167 : memref<1x128x128xf32, #tpu.memory_space<vmem>> -> memref<128x128xf32, #tpu.memory_space<vmem>>
    tpu.wait_dma2 semaphore(%dma_wait3A_162 : memref<!tpu.dma_semaphore, #tpu.memory_space<semaphore_mem>>) src(%dma_wait3A_168 : memref<128x128xf32, #tpu.memory_space<vmem>>) dst(%dma_wait3A_164 : memref<128x128xf32, #tpu.memory_space<vmem_shared>>)
    %mul3A_169 = arith.constant 640 : i32
    %mul3A_170 = arith.muli %arg1, %mul3A_169 : i32
    %dma_wait3A_171 = arith.constant 1 : i32
    %dma_wait3A_172 = arith.constant 1 : i32
    %dma_wait3A_173 = arith.constant 0 : i32
    %dma_wait3A_174 = arith.constant 0 : i32
    %dma_wait3A_175 = tpu.memref_slice %arg7[%dma_wait3A_171, %dma_wait3A_173, %dma_wait3A_174] : memref<2x128x128xf32, #tpu.memory_space<vmem>> -> memref<1x128x128xf32, #tpu.memory_space<vmem>>
    %dma_wait3A_176 = tpu.memref_squeeze %dma_wait3A_175 : memref<1x128x128xf32, #tpu.memory_space<vmem>> -> memref<128x128xf32, #tpu.memory_space<vmem>>
    %dma_wait3A_177 = arith.constant 0 : i32
    %dma_wait3A_178 = tpu.memref_slice %arg6[%mul3A_170, %dma_wait3A_177] : memref<10240x128xf32, #tpu.memory_space<vmem_shared>> -> memref<128x128xf32, #tpu.memory_space<vmem_shared>>
    %dma_wait3A_179 = tpu.memref_slice %arg10[%dma_wait3A_172] : memref<2x!tpu.dma_semaphore, #tpu.memory_space<semaphore_mem>> -> memref<1x!tpu.dma_semaphore, #tpu.memory_space<semaphore_mem>>
    %dma_wait3A_180 = tpu.memref_squeeze %dma_wait3A_179 : memref<1x!tpu.dma_semaphore, #tpu.memory_space<semaphore_mem>> -> memref<!tpu.dma_semaphore, #tpu.memory_space<semaphore_mem>>
    %dma_wait3A_181 = arith.constant 0 : i32
    %dma_wait3A_182 = tpu.memref_slice %arg6[%mul3A_170, %dma_wait3A_181] : memref<10240x128xf32, #tpu.memory_space<vmem_shared>> -> memref<128x128xf32, #tpu.memory_space<vmem_shared>>
    %dma_wait3A_183 = arith.constant 0 : i32
    %dma_wait3A_184 = arith.constant 0 : i32
    %dma_wait3A_185 = tpu.memref_slice %arg7[%dma_wait3A_171, %dma_wait3A_183, %dma_wait3A_184] : memref<2x128x128xf32, #tpu.memory_space<vmem>> -> memref<1x128x128xf32, #tpu.memory_space<vmem>>
    %dma_wait3A_186 = tpu.memref_squeeze %dma_wait3A_185 : memref<1x128x128xf32, #tpu.memory_space<vmem>> -> memref<128x128xf32, #tpu.memory_space<vmem>>
    tpu.wait_dma2 semaphore(%dma_wait3A_180 : memref<!tpu.dma_semaphore, #tpu.memory_space<semaphore_mem>>) src(%dma_wait3A_186 : memref<128x128xf32, #tpu.memory_space<vmem>>) dst(%dma_wait3A_182 : memref<128x128xf32, #tpu.memory_space<vmem_shared>>)
    %mul3A_187 = arith.constant 640 : i32
    %mul3A_188 = arith.muli %arg1, %mul3A_187 : i32
    %dma_wait3A_189 = arith.constant 1 : i32
    %dma_wait3A_190 = arith.constant 1 : i32
    %dma_wait3A_191 = arith.constant 0 : i32
    %dma_wait3A_192 = arith.constant 0 : i32
    %dma_wait3A_193 = tpu.memref_slice %arg7[%dma_wait3A_189, %dma_wait3A_191, %dma_wait3A_192] : memref<2x128x128xf32, #tpu.memory_space<vmem>> -> memref<1x128x128xf32, #tpu.memory_space<vmem>>
    %dma_wait3A_194 = tpu.memref_squeeze %dma_wait3A_193 : memref<1x128x128xf32, #tpu.memory_space<vmem>> -> memref<128x128xf32, #tpu.memory_space<vmem>>
    %dma_wait3A_195 = arith.constant 0 : i32
    %dma_wait3A_196 = tpu.memref_slice %arg6[%mul3A_188, %dma_wait3A_195] : memref<10240x128xf32, #tpu.memory_space<vmem_shared>> -> memref<128x128xf32, #tpu.memory_space<vmem_shared>>
    %dma_wait3A_197 = tpu.memref_slice %arg10[%dma_wait3A_190] : memref<2x!tpu.dma_semaphore, #tpu.memory_space<semaphore_mem>> -> memref<1x!tpu.dma_semaphore, #tpu.memory_space<semaphore_mem>>
    %dma_wait3A_198 = tpu.memref_squeeze %dma_wait3A_197 : memref<1x!tpu.dma_semaphore, #tpu.memory_space<semaphore_mem>> -> memref<!tpu.dma_semaphore, #tpu.memory_space<semaphore_mem>>
    %dma_wait3A_199 = arith.constant 0 : i32
    %dma_wait3A_200 = tpu.memref_slice %arg6[%mul3A_188, %dma_wait3A_199] : memref<10240x128xf32, #tpu.memory_space<vmem_shared>> -> memref<128x128xf32, #tpu.memory_space<vmem_shared>>
    %dma_wait3A_201 = arith.constant 0 : i32
    %dma_wait3A_202 = arith.constant 0 : i32
    %dma_wait3A_203 = tpu.memref_slice %arg7[%dma_wait3A_189, %dma_wait3A_201, %dma_wait3A_202] : memref<2x128x128xf32, #tpu.memory_space<vmem>> -> memref<1x128x128xf32, #tpu.memory_space<vmem>>
    %dma_wait3A_204 = tpu.memref_squeeze %dma_wait3A_203 : memref<1x128x128xf32, #tpu.memory_space<vmem>> -> memref<128x128xf32, #tpu.memory_space<vmem>>
    tpu.wait_dma2 semaphore(%dma_wait3A_198 : memref<!tpu.dma_semaphore, #tpu.memory_space<semaphore_mem>>) src(%dma_wait3A_204 : memref<128x128xf32, #tpu.memory_space<vmem>>) dst(%dma_wait3A_200 : memref<128x128xf32, #tpu.memory_space<vmem_shared>>)
    %mul3A_205 = arith.constant 640 : i32
    %mul3A_206 = arith.muli %arg1, %mul3A_205 : i32
    %dma_wait3A_207 = arith.constant 1 : i32
    %dma_wait3A_208 = arith.constant 1 : i32
    %dma_wait3A_209 = arith.constant 0 : i32
    %dma_wait3A_210 = arith.constant 0 : i32
    %dma_wait3A_211 = tpu.memref_slice %arg7[%dma_wait3A_207, %dma_wait3A_209, %dma_wait3A_210] : memref<2x128x128xf32, #tpu.memory_space<vmem>> -> memref<1x128x128xf32, #tpu.memory_space<vmem>>
    %dma_wait3A_212 = tpu.memref_squeeze %dma_wait3A_211 : memref<1x128x128xf32, #tpu.memory_space<vmem>> -> memref<128x128xf32, #tpu.memory_space<vmem>>
    %dma_wait3A_213 = arith.constant 0 : i32
    %dma_wait3A_214 = tpu.memref_slice %arg6[%mul3A_206, %dma_wait3A_213] : memref<10240x128xf32, #tpu.memory_space<vmem_shared>> -> memref<128x128xf32, #tpu.memory_space<vmem_shared>>
    %dma_wait3A_215 = tpu.memref_slice %arg10[%dma_wait3A_208] : memref<2x!tpu.dma_semaphore, #tpu.memory_space<semaphore_mem>> -> memref<1x!tpu.dma_semaphore, #tpu.memory_space<semaphore_mem>>
    %dma_wait3A_216 = tpu.memref_squeeze %dma_wait3A_215 : memref<1x!tpu.dma_semaphore, #tpu.memory_space<semaphore_mem>> -> memref<!tpu.dma_semaphore, #tpu.memory_space<semaphore_mem>>
    %dma_wait3A_217 = arith.constant 0 : i32
    %dma_wait3A_218 = tpu.memref_slice %arg6[%mul3A_206, %dma_wait3A_217] : memref<10240x128xf32, #tpu.memory_space<vmem_shared>> -> memref<128x128xf32, #tpu.memory_space<vmem_shared>>
    %dma_wait3A_219 = arith.constant 0 : i32
    %dma_wait3A_220 = arith.constant 0 : i32
    %dma_wait3A_221 = tpu.memref_slice %arg7[%dma_wait3A_207, %dma_wait3A_219, %dma_wait3A_220] : memref<2x128x128xf32, #tpu.memory_space<vmem>> -> memref<1x128x128xf32, #tpu.memory_space<vmem>>
    %dma_wait3A_222 = tpu.memref_squeeze %dma_wait3A_221 : memref<1x128x128xf32, #tpu.memory_space<vmem>> -> memref<128x128xf32, #tpu.memory_space<vmem>>
    tpu.wait_dma2 semaphore(%dma_wait3A_216 : memref<!tpu.dma_semaphore, #tpu.memory_space<semaphore_mem>>) src(%dma_wait3A_222 : memref<128x128xf32, #tpu.memory_space<vmem>>) dst(%dma_wait3A_218 : memref<128x128xf32, #tpu.memory_space<vmem_shared>>)
    %barrier3A = arith.constant 0 : index
    tpu.barrier barrier_id(%barrier3A)
    %scan3A = arith.constant 0 : i32
    %scan3A_223 = arith.constant 0 : i32
    %scan3A_224 = arith.constant 39 : i32
    %scan3A_225 = arith.addi %scan3A_223, %scan3A_224 : i32
    %scan3A_226 = arith.constant 1 : i32
    scf.for %scan3A_493 = %scan3A_223 to %scan3A_225 step %scan3A_226  : i32 {
      %mul3A_494 = arith.constant 2 : i32
      %mul3A_495 = arith.muli %scan3A_493, %mul3A_494 : i32
      %add3A_496 = arith.constant 0 : i32
      %add3A_497 = arith.addi %mul3A_495, %add3A_496 : i32
      %dma_wait3A_498 = arith.constant 0 : i32
      %dma_wait3A_499 = arith.constant 0 : i32
      %dma_wait3A_500 = arith.constant 0 : i32
      %dma_wait3A_501 = arith.constant 0 : i32
      %dma_wait3A_502 = tpu.memref_slice %arg7[%dma_wait3A_498, %dma_wait3A_500, %dma_wait3A_501] : memref<2x128x128xf32, #tpu.memory_space<vmem>> -> memref<1x128x128xf32, #tpu.memory_space<vmem>>
      %dma_wait3A_503 = tpu.memref_squeeze %dma_wait3A_502 : memref<1x128x128xf32, #tpu.memory_space<vmem>> -> memref<128x128xf32, #tpu.memory_space<vmem>>
      %dma_wait3A_504 = arith.constant 0 : i32
      %dma_wait3A_505 = arith.constant 0 : i32
      %dma_wait3A_506 = tpu.memref_slice %arg4[%dma_wait3A_504, %dma_wait3A_505] : memref<320000x128xf32, #tpu.memory_space<hbm>> -> memref<128x128xf32, #tpu.memory_space<hbm>>
      %dma_wait3A_507 = tpu.memref_slice %arg9[%dma_wait3A_499] : memref<2x!tpu.dma_semaphore, #tpu.memory_space<semaphore_mem>> -> memref<1x!tpu.dma_semaphore, #tpu.memory_space<semaphore_mem>>
      %dma_wait3A_508 = tpu.memref_squeeze %dma_wait3A_507 : memref<1x!tpu.dma_semaphore, #tpu.memory_space<semaphore_mem>> -> memref<!tpu.dma_semaphore, #tpu.memory_space<semaphore_mem>>
      %dma_wait3A_509 = arith.constant 0 : i32
      %dma_wait3A_510 = arith.constant 0 : i32
      %dma_wait3A_511 = tpu.memref_slice %arg7[%dma_wait3A_498, %dma_wait3A_509, %dma_wait3A_510] : memref<2x128x128xf32, #tpu.memory_space<vmem>> -> memref<1x128x128xf32, #tpu.memory_space<vmem>>
      %dma_wait3A_512 = tpu.memref_squeeze %dma_wait3A_511 : memref<1x128x128xf32, #tpu.memory_space<vmem>> -> memref<128x128xf32, #tpu.memory_space<vmem>>
      %dma_wait3A_513 = arith.constant 0 : i32
      %dma_wait3A_514 = arith.constant 0 : i32
      %dma_wait3A_515 = tpu.memref_slice %arg4[%dma_wait3A_513, %dma_wait3A_514] : memref<320000x128xf32, #tpu.memory_space<hbm>> -> memref<128x128xf32, #tpu.memory_space<hbm>>
      tpu.wait_dma2 semaphore(%dma_wait3A_508 : memref<!tpu.dma_semaphore, #tpu.memory_space<semaphore_mem>>) src(%dma_wait3A_515 : memref<128x128xf32, #tpu.memory_space<hbm>>) dst(%dma_wait3A_512 : memref<128x128xf32, #tpu.memory_space<vmem>>)
      %dma_wait3A_516 = arith.constant 0 : i32
      %dma_wait3A_517 = arith.constant 0 : i32
      %dma_wait3A_518 = arith.constant 0 : i32
      %dma_wait3A_519 = arith.constant 0 : i32
      %dma_wait3A_520 = tpu.memref_slice %arg8[%dma_wait3A_516, %dma_wait3A_518, %dma_wait3A_519] : memref<2x2x128xi32, #tpu.memory_space<vmem>> -> memref<1x2x128xi32, #tpu.memory_space<vmem>>
      %dma_wait3A_521 = tpu.memref_squeeze %dma_wait3A_520 : memref<1x2x128xi32, #tpu.memory_space<vmem>> -> memref<2x128xi32, #tpu.memory_space<vmem>>
      %dma_wait3A_522 = arith.constant 0 : i32
      %dma_wait3A_523 = arith.constant 0 : i32
      %dma_wait3A_524 = tpu.memref_slice %arg3[%dma_wait3A_522, %dma_wait3A_523] : memref<2x320000xi32, #tpu.memory_space<hbm>> -> memref<2x128xi32, #tpu.memory_space<hbm>>
      %dma_wait3A_525 = tpu.memref_slice %arg9[%dma_wait3A_517] : memref<2x!tpu.dma_semaphore, #tpu.memory_space<semaphore_mem>> -> memref<1x!tpu.dma_semaphore, #tpu.memory_space<semaphore_mem>>
      %dma_wait3A_526 = tpu.memref_squeeze %dma_wait3A_525 : memref<1x!tpu.dma_semaphore, #tpu.memory_space<semaphore_mem>> -> memref<!tpu.dma_semaphore, #tpu.memory_space<semaphore_mem>>
      %dma_wait3A_527 = arith.constant 0 : i32
      %dma_wait3A_528 = arith.constant 0 : i32
      %dma_wait3A_529 = tpu.memref_slice %arg8[%dma_wait3A_516, %dma_wait3A_527, %dma_wait3A_528] : memref<2x2x128xi32, #tpu.memory_space<vmem>> -> memref<1x2x128xi32, #tpu.memory_space<vmem>>
      %dma_wait3A_530 = tpu.memref_squeeze %dma_wait3A_529 : memref<1x2x128xi32, #tpu.memory_space<vmem>> -> memref<2x128xi32, #tpu.memory_space<vmem>>
      %dma_wait3A_531 = arith.constant 0 : i32
      %dma_wait3A_532 = arith.constant 0 : i32
      %dma_wait3A_533 = tpu.memref_slice %arg3[%dma_wait3A_531, %dma_wait3A_532] : memref<2x320000xi32, #tpu.memory_space<hbm>> -> memref<2x128xi32, #tpu.memory_space<hbm>>
      tpu.wait_dma2 semaphore(%dma_wait3A_526 : memref<!tpu.dma_semaphore, #tpu.memory_space<semaphore_mem>>) src(%dma_wait3A_533 : memref<2x128xi32, #tpu.memory_space<hbm>>) dst(%dma_wait3A_530 : memref<2x128xi32, #tpu.memory_space<vmem>>)
      %dma_start3A_534 = arith.constant 0 : i32
      %dma_start3A_535 = arith.constant 0 : i32
      %dma_start3A_536 = arith.constant 0 : i32
      %dma_start3A_537 = arith.constant 0 : i32
      %dma_start3A_538 = arith.constant 0 : i32
      %dma_start3A_539 = arith.constant 0 : i32
      %dma_start3A_540 = tpu.memref_slice %arg7[%dma_start3A_534, %dma_start3A_538, %dma_start3A_539] : memref<2x128x128xf32, #tpu.memory_space<vmem>> -> memref<1x128x128xf32, #tpu.memory_space<vmem>>
      %dma_start3A_541 = tpu.memref_squeeze %dma_start3A_540 : memref<1x128x128xf32, #tpu.memory_space<vmem>> -> memref<128x128xf32, #tpu.memory_space<vmem>>
      %dma_start3A_542 = arith.constant 0 : i32
      %dma_start3A_543 = tpu.memref_slice %arg8[%dma_start3A_535, %dma_start3A_536, %dma_start3A_542] : memref<2x2x128xi32, #tpu.memory_space<vmem>> -> memref<1x1x128xi32, #tpu.memory_space<vmem>>
      %dma_start3A_544 = tpu.memref_squeeze %dma_start3A_543 : memref<1x1x128xi32, #tpu.memory_space<vmem>> -> memref<128xi32, #tpu.memory_space<vmem>>
      %dma_start3A_545 = arith.constant 0 : i32
      %dma_start3A_546 = arith.constant 0 : i32
      %dma_start3A_547 = tpu.memref_slice %arg6[%dma_start3A_545, %dma_start3A_546] : memref<10240x128xf32, #tpu.memory_space<vmem_shared>> -> memref<10240x128xf32, #tpu.memory_space<vmem_shared>>
      %dma_start3A_548 = tpu.memref_slice %arg10[%dma_start3A_537] : memref<2x!tpu.dma_semaphore, #tpu.memory_space<semaphore_mem>> -> memref<1x!tpu.dma_semaphore, #tpu.memory_space<semaphore_mem>>
      %dma_start3A_549 = tpu.memref_squeeze %dma_start3A_548 : memref<1x!tpu.dma_semaphore, #tpu.memory_space<semaphore_mem>> -> memref<!tpu.dma_semaphore, #tpu.memory_space<semaphore_mem>>
      tpu.enqueue_indirect_dma source(%dma_start3A_541 : memref<128x128xf32, #tpu.memory_space<vmem>>) target(%dma_start3A_547 : memref<10240x128xf32, #tpu.memory_space<vmem_shared>>) offsets(%dma_start3A_544 : memref<128xi32, #tpu.memory_space<vmem>>) semaphore(%dma_start3A_549 : memref<!tpu.dma_semaphore, #tpu.memory_space<semaphore_mem>>) {add = true}
      %dma_start3A_550 = arith.constant 0 : i32
      %dma_start3A_551 = arith.constant 0 : i32
      %dma_start3A_552 = arith.constant 1 : i32
      %dma_start3A_553 = arith.constant 0 : i32
      %dma_start3A_554 = arith.constant 0 : i32
      %dma_start3A_555 = arith.constant 0 : i32
      %dma_start3A_556 = tpu.memref_slice %arg7[%dma_start3A_550, %dma_start3A_554, %dma_start3A_555] : memref<2x128x128xf32, #tpu.memory_space<vmem>> -> memref<1x128x128xf32, #tpu.memory_space<vmem>>
      %dma_start3A_557 = tpu.memref_squeeze %dma_start3A_556 : memref<1x128x128xf32, #tpu.memory_space<vmem>> -> memref<128x128xf32, #tpu.memory_space<vmem>>
      %dma_start3A_558 = arith.constant 0 : i32
      %dma_start3A_559 = tpu.memref_slice %arg8[%dma_start3A_551, %dma_start3A_552, %dma_start3A_558] : memref<2x2x128xi32, #tpu.memory_space<vmem>> -> memref<1x1x128xi32, #tpu.memory_space<vmem>>
      %dma_start3A_560 = tpu.memref_squeeze %dma_start3A_559 : memref<1x1x128xi32, #tpu.memory_space<vmem>> -> memref<128xi32, #tpu.memory_space<vmem>>
      %dma_start3A_561 = arith.constant 0 : i32
      %dma_start3A_562 = arith.constant 0 : i32
      %dma_start3A_563 = tpu.memref_slice %arg6[%dma_start3A_561, %dma_start3A_562] : memref<10240x128xf32, #tpu.memory_space<vmem_shared>> -> memref<10240x128xf32, #tpu.memory_space<vmem_shared>>
      %dma_start3A_564 = tpu.memref_slice %arg10[%dma_start3A_553] : memref<2x!tpu.dma_semaphore, #tpu.memory_space<semaphore_mem>> -> memref<1x!tpu.dma_semaphore, #tpu.memory_space<semaphore_mem>>
      %dma_start3A_565 = tpu.memref_squeeze %dma_start3A_564 : memref<1x!tpu.dma_semaphore, #tpu.memory_space<semaphore_mem>> -> memref<!tpu.dma_semaphore, #tpu.memory_space<semaphore_mem>>
      tpu.enqueue_indirect_dma source(%dma_start3A_557 : memref<128x128xf32, #tpu.memory_space<vmem>>) target(%dma_start3A_563 : memref<10240x128xf32, #tpu.memory_space<vmem_shared>>) offsets(%dma_start3A_560 : memref<128xi32, #tpu.memory_space<vmem>>) semaphore(%dma_start3A_565 : memref<!tpu.dma_semaphore, #tpu.memory_space<semaphore_mem>>) {add = true}
      %ge3A = arith.constant 1 : i32
      %ge3A_566 = arith.cmpi sge, %add3A_497, %ge3A : i32
      %convert_element_type3A_567 = arith.extui %ge3A_566 : i1 to i32
      %cond3A_568 = arith.constant 0 : i32
      %cond3A_569 = arith.cmpi ne, %convert_element_type3A_567, %cond3A_568 : i32
      scf.if %cond3A_569 {
        %dma_wait3A_661 = arith.constant 1 : i32
        %dma_wait3A_662 = arith.constant 1 : i32
        %dma_wait3A_663 = arith.constant 0 : i32
        %dma_wait3A_664 = arith.constant 1 : i32
        %dma_wait3A_665 = arith.constant 0 : i32
        %dma_wait3A_666 = arith.constant 0 : i32
        %dma_wait3A_667 = tpu.memref_slice %arg7[%dma_wait3A_661, %dma_wait3A_665, %dma_wait3A_666] : memref<2x128x128xf32, #tpu.memory_space<vmem>> -> memref<1x128x128xf32, #tpu.memory_space<vmem>>
        %dma_wait3A_668 = tpu.memref_squeeze %dma_wait3A_667 : memref<1x128x128xf32, #tpu.memory_space<vmem>> -> memref<128x128xf32, #tpu.memory_space<vmem>>
        %dma_wait3A_669 = arith.constant 0 : i32
        %dma_wait3A_670 = tpu.memref_slice %arg8[%dma_wait3A_662, %dma_wait3A_663, %dma_wait3A_669] : memref<2x2x128xi32, #tpu.memory_space<vmem>> -> memref<1x1x128xi32, #tpu.memory_space<vmem>>
        %dma_wait3A_671 = tpu.memref_squeeze %dma_wait3A_670 : memref<1x1x128xi32, #tpu.memory_space<vmem>> -> memref<128xi32, #tpu.memory_space<vmem>>
        %dma_wait3A_672 = arith.constant 0 : i32
        %dma_wait3A_673 = arith.constant 0 : i32
        %dma_wait3A_674 = tpu.memref_slice %arg6[%dma_wait3A_672, %dma_wait3A_673] : memref<10240x128xf32, #tpu.memory_space<vmem_shared>> -> memref<10240x128xf32, #tpu.memory_space<vmem_shared>>
        %dma_wait3A_675 = tpu.memref_slice %arg10[%dma_wait3A_664] : memref<2x!tpu.dma_semaphore, #tpu.memory_space<semaphore_mem>> -> memref<1x!tpu.dma_semaphore, #tpu.memory_space<semaphore_mem>>
        %dma_wait3A_676 = tpu.memref_squeeze %dma_wait3A_675 : memref<1x!tpu.dma_semaphore, #tpu.memory_space<semaphore_mem>> -> memref<!tpu.dma_semaphore, #tpu.memory_space<semaphore_mem>>
        tpu.wait_indirect_dma semaphore(%dma_wait3A_676 : memref<!tpu.dma_semaphore, #tpu.memory_space<semaphore_mem>>) src(%dma_wait3A_668 : memref<128x128xf32, #tpu.memory_space<vmem>>) dst(%dma_wait3A_674 : memref<10240x128xf32, #tpu.memory_space<vmem_shared>>)
        %dma_wait3A_677 = arith.constant 1 : i32
        %dma_wait3A_678 = arith.constant 1 : i32
        %dma_wait3A_679 = arith.constant 1 : i32
        %dma_wait3A_680 = arith.constant 1 : i32
        %dma_wait3A_681 = arith.constant 0 : i32
        %dma_wait3A_682 = arith.constant 0 : i32
        %dma_wait3A_683 = tpu.memref_slice %arg7[%dma_wait3A_677, %dma_wait3A_681, %dma_wait3A_682] : memref<2x128x128xf32, #tpu.memory_space<vmem>> -> memref<1x128x128xf32, #tpu.memory_space<vmem>>
        %dma_wait3A_684 = tpu.memref_squeeze %dma_wait3A_683 : memref<1x128x128xf32, #tpu.memory_space<vmem>> -> memref<128x128xf32, #tpu.memory_space<vmem>>
        %dma_wait3A_685 = arith.constant 0 : i32
        %dma_wait3A_686 = tpu.memref_slice %arg8[%dma_wait3A_678, %dma_wait3A_679, %dma_wait3A_685] : memref<2x2x128xi32, #tpu.memory_space<vmem>> -> memref<1x1x128xi32, #tpu.memory_space<vmem>>
        %dma_wait3A_687 = tpu.memref_squeeze %dma_wait3A_686 : memref<1x1x128xi32, #tpu.memory_space<vmem>> -> memref<128xi32, #tpu.memory_space<vmem>>
        %dma_wait3A_688 = arith.constant 0 : i32
        %dma_wait3A_689 = arith.constant 0 : i32
        %dma_wait3A_690 = tpu.memref_slice %arg6[%dma_wait3A_688, %dma_wait3A_689] : memref<10240x128xf32, #tpu.memory_space<vmem_shared>> -> memref<10240x128xf32, #tpu.memory_space<vmem_shared>>
        %dma_wait3A_691 = tpu.memref_slice %arg10[%dma_wait3A_680] : memref<2x!tpu.dma_semaphore, #tpu.memory_space<semaphore_mem>> -> memref<1x!tpu.dma_semaphore, #tpu.memory_space<semaphore_mem>>
        %dma_wait3A_692 = tpu.memref_squeeze %dma_wait3A_691 : memref<1x!tpu.dma_semaphore, #tpu.memory_space<semaphore_mem>> -> memref<!tpu.dma_semaphore, #tpu.memory_space<semaphore_mem>>
        tpu.wait_indirect_dma semaphore(%dma_wait3A_692 : memref<!tpu.dma_semaphore, #tpu.memory_space<semaphore_mem>>) src(%dma_wait3A_684 : memref<128x128xf32, #tpu.memory_space<vmem>>) dst(%dma_wait3A_690 : memref<10240x128xf32, #tpu.memory_space<vmem_shared>>)
      } else {
      }
      %add3A_570 = arith.constant 1 : i32
      %add3A_571 = arith.addi %add3A_497, %add3A_570 : i32
      %lt3A_572 = arith.constant 78 : i32
      %lt3A_573 = arith.cmpi slt, %add3A_571, %lt3A_572 : i32
      %convert_element_type3A_574 = arith.extui %lt3A_573 : i1 to i32
      %cond3A_575 = arith.constant 0 : i32
      %cond3A_576 = arith.cmpi ne, %convert_element_type3A_574, %cond3A_575 : i32
      scf.if %cond3A_576 {
        %add3A_661 = arith.constant 1 : i32
        %add3A_662 = arith.addi %add3A_497, %add3A_661 : i32
        %mul3A_663 = arith.constant 32 : i32
        %mul3A_664 = arith.muli %add3A_662, %mul3A_663 : i32
        %add3A_665 = arith.addi %mul3A_664, %add3A : i32
        %mul3A_666 = arith.constant 128 : i32
        %mul3A_667 = arith.muli %add3A_665, %mul3A_666 : i32
        %dma_start3A_668 = arith.constant 1 : i32
        %dma_start3A_669 = arith.constant 1 : i32
        %dma_start3A_670 = arith.constant 0 : i32
        %dma_start3A_671 = arith.constant 0 : i32
        %dma_start3A_672 = tpu.memref_slice %arg7[%dma_start3A_668, %dma_start3A_670, %dma_start3A_671] : memref<2x128x128xf32, #tpu.memory_space<vmem>> -> memref<1x128x128xf32, #tpu.memory_space<vmem>>
        %dma_start3A_673 = tpu.memref_squeeze %dma_start3A_672 : memref<1x128x128xf32, #tpu.memory_space<vmem>> -> memref<128x128xf32, #tpu.memory_space<vmem>>
        %dma_start3A_674 = arith.constant 0 : i32
        %dma_start3A_675 = tpu.memref_slice %arg4[%mul3A_667, %dma_start3A_674] : memref<320000x128xf32, #tpu.memory_space<hbm>> -> memref<128x128xf32, #tpu.memory_space<hbm>>
        %dma_start3A_676 = tpu.memref_slice %arg9[%dma_start3A_669] : memref<2x!tpu.dma_semaphore, #tpu.memory_space<semaphore_mem>> -> memref<1x!tpu.dma_semaphore, #tpu.memory_space<semaphore_mem>>
        %dma_start3A_677 = tpu.memref_squeeze %dma_start3A_676 : memref<1x!tpu.dma_semaphore, #tpu.memory_space<semaphore_mem>> -> memref<!tpu.dma_semaphore, #tpu.memory_space<semaphore_mem>>
        %dma_start3A_678 = arith.constant 0 : i32
        %dma_start3A_679 = arith.constant 0 : i32
        %dma_start3A_680 = tpu.memref_slice %arg7[%dma_start3A_668, %dma_start3A_678, %dma_start3A_679] : memref<2x128x128xf32, #tpu.memory_space<vmem>> -> memref<1x128x128xf32, #tpu.memory_space<vmem>>
        %dma_start3A_681 = tpu.memref_squeeze %dma_start3A_680 : memref<1x128x128xf32, #tpu.memory_space<vmem>> -> memref<128x128xf32, #tpu.memory_space<vmem>>
        %dma_start3A_682 = arith.constant 0 : i32
        %dma_start3A_683 = tpu.memref_slice %arg4[%mul3A_667, %dma_start3A_682] : memref<320000x128xf32, #tpu.memory_space<hbm>> -> memref<128x128xf32, #tpu.memory_space<hbm>>
        tpu.enqueue_dma source(%dma_start3A_683 : memref<128x128xf32, #tpu.memory_space<hbm>>) target(%dma_start3A_681 : memref<128x128xf32, #tpu.memory_space<vmem>>) target_semaphore(%dma_start3A_677 : memref<!tpu.dma_semaphore, #tpu.memory_space<semaphore_mem>>)
        %dma_start3A_684 = arith.constant 1 : i32
        %dma_start3A_685 = arith.constant 1 : i32
        %dma_start3A_686 = arith.constant 0 : i32
        %dma_start3A_687 = arith.constant 0 : i32
        %dma_start3A_688 = tpu.memref_slice %arg8[%dma_start3A_684, %dma_start3A_686, %dma_start3A_687] : memref<2x2x128xi32, #tpu.memory_space<vmem>> -> memref<1x2x128xi32, #tpu.memory_space<vmem>>
        %dma_start3A_689 = tpu.memref_squeeze %dma_start3A_688 : memref<1x2x128xi32, #tpu.memory_space<vmem>> -> memref<2x128xi32, #tpu.memory_space<vmem>>
        %dma_start3A_690 = arith.constant 0 : i32
        %dma_start3A_691 = tpu.memref_slice %arg3[%dma_start3A_690, %mul3A_667] : memref<2x320000xi32, #tpu.memory_space<hbm>> -> memref<2x128xi32, #tpu.memory_space<hbm>>
        %dma_start3A_692 = tpu.memref_slice %arg9[%dma_start3A_685] : memref<2x!tpu.dma_semaphore, #tpu.memory_space<semaphore_mem>> -> memref<1x!tpu.dma_semaphore, #tpu.memory_space<semaphore_mem>>
        %dma_start3A_693 = tpu.memref_squeeze %dma_start3A_692 : memref<1x!tpu.dma_semaphore, #tpu.memory_space<semaphore_mem>> -> memref<!tpu.dma_semaphore, #tpu.memory_space<semaphore_mem>>
        %dma_start3A_694 = arith.constant 0 : i32
        %dma_start3A_695 = arith.constant 0 : i32
        %dma_start3A_696 = tpu.memref_slice %arg8[%dma_start3A_684, %dma_start3A_694, %dma_start3A_695] : memref<2x2x128xi32, #tpu.memory_space<vmem>> -> memref<1x2x128xi32, #tpu.memory_space<vmem>>
        %dma_start3A_697 = tpu.memref_squeeze %dma_start3A_696 : memref<1x2x128xi32, #tpu.memory_space<vmem>> -> memref<2x128xi32, #tpu.memory_space<vmem>>
        %dma_start3A_698 = arith.constant 0 : i32
        %dma_start3A_699 = tpu.memref_slice %arg3[%dma_start3A_698, %mul3A_667] : memref<2x320000xi32, #tpu.memory_space<hbm>> -> memref<2x128xi32, #tpu.memory_space<hbm>>
        tpu.enqueue_dma source(%dma_start3A_699 : memref<2x128xi32, #tpu.memory_space<hbm>>) target(%dma_start3A_697 : memref<2x128xi32, #tpu.memory_space<vmem>>) target_semaphore(%dma_start3A_693 : memref<!tpu.dma_semaphore, #tpu.memory_space<semaphore_mem>>)
      } else {
      }
      %mul3A_577 = arith.constant 2 : i32
      %mul3A_578 = arith.muli %scan3A_493, %mul3A_577 : i32
      %add3A_579 = arith.constant 1 : i32
      %add3A_580 = arith.addi %mul3A_578, %add3A_579 : i32
      %dma_wait3A_581 = arith.constant 1 : i32
      %dma_wait3A_582 = arith.constant 1 : i32
      %dma_wait3A_583 = arith.constant 0 : i32
      %dma_wait3A_584 = arith.constant 0 : i32
      %dma_wait3A_585 = tpu.memref_slice %arg7[%dma_wait3A_581, %dma_wait3A_583, %dma_wait3A_584] : memref<2x128x128xf32, #tpu.memory_space<vmem>> -> memref<1x128x128xf32, #tpu.memory_space<vmem>>
      %dma_wait3A_586 = tpu.memref_squeeze %dma_wait3A_585 : memref<1x128x128xf32, #tpu.memory_space<vmem>> -> memref<128x128xf32, #tpu.memory_space<vmem>>
      %dma_wait3A_587 = arith.constant 0 : i32
      %dma_wait3A_588 = arith.constant 0 : i32
      %dma_wait3A_589 = tpu.memref_slice %arg4[%dma_wait3A_587, %dma_wait3A_588] : memref<320000x128xf32, #tpu.memory_space<hbm>> -> memref<128x128xf32, #tpu.memory_space<hbm>>
      %dma_wait3A_590 = tpu.memref_slice %arg9[%dma_wait3A_582] : memref<2x!tpu.dma_semaphore, #tpu.memory_space<semaphore_mem>> -> memref<1x!tpu.dma_semaphore, #tpu.memory_space<semaphore_mem>>
      %dma_wait3A_591 = tpu.memref_squeeze %dma_wait3A_590 : memref<1x!tpu.dma_semaphore, #tpu.memory_space<semaphore_mem>> -> memref<!tpu.dma_semaphore, #tpu.memory_space<semaphore_mem>>
      %dma_wait3A_592 = arith.constant 0 : i32
      %dma_wait3A_593 = arith.constant 0 : i32
      %dma_wait3A_594 = tpu.memref_slice %arg7[%dma_wait3A_581, %dma_wait3A_592, %dma_wait3A_593] : memref<2x128x128xf32, #tpu.memory_space<vmem>> -> memref<1x128x128xf32, #tpu.memory_space<vmem>>
      %dma_wait3A_595 = tpu.memref_squeeze %dma_wait3A_594 : memref<1x128x128xf32, #tpu.memory_space<vmem>> -> memref<128x128xf32, #tpu.memory_space<vmem>>
      %dma_wait3A_596 = arith.constant 0 : i32
      %dma_wait3A_597 = arith.constant 0 : i32
      %dma_wait3A_598 = tpu.memref_slice %arg4[%dma_wait3A_596, %dma_wait3A_597] : memref<320000x128xf32, #tpu.memory_space<hbm>> -> memref<128x128xf32, #tpu.memory_space<hbm>>
      tpu.wait_dma2 semaphore(%dma_wait3A_591 : memref<!tpu.dma_semaphore, #tpu.memory_space<semaphore_mem>>) src(%dma_wait3A_598 : memref<128x128xf32, #tpu.memory_space<hbm>>) dst(%dma_wait3A_595 : memref<128x128xf32, #tpu.memory_space<vmem>>)
      %dma_wait3A_599 = arith.constant 1 : i32
      %dma_wait3A_600 = arith.constant 1 : i32
      %dma_wait3A_601 = arith.constant 0 : i32
      %dma_wait3A_602 = arith.constant 0 : i32
      %dma_wait3A_603 = tpu.memref_slice %arg8[%dma_wait3A_599, %dma_wait3A_601, %dma_wait3A_602] : memref<2x2x128xi32, #tpu.memory_space<vmem>> -> memref<1x2x128xi32, #tpu.memory_space<vmem>>
      %dma_wait3A_604 = tpu.memref_squeeze %dma_wait3A_603 : memref<1x2x128xi32, #tpu.memory_space<vmem>> -> memref<2x128xi32, #tpu.memory_space<vmem>>
      %dma_wait3A_605 = arith.constant 0 : i32
      %dma_wait3A_606 = arith.constant 0 : i32
      %dma_wait3A_607 = tpu.memref_slice %arg3[%dma_wait3A_605, %dma_wait3A_606] : memref<2x320000xi32, #tpu.memory_space<hbm>> -> memref<2x128xi32, #tpu.memory_space<hbm>>
      %dma_wait3A_608 = tpu.memref_slice %arg9[%dma_wait3A_600] : memref<2x!tpu.dma_semaphore, #tpu.memory_space<semaphore_mem>> -> memref<1x!tpu.dma_semaphore, #tpu.memory_space<semaphore_mem>>
      %dma_wait3A_609 = tpu.memref_squeeze %dma_wait3A_608 : memref<1x!tpu.dma_semaphore, #tpu.memory_space<semaphore_mem>> -> memref<!tpu.dma_semaphore, #tpu.memory_space<semaphore_mem>>
      %dma_wait3A_610 = arith.constant 0 : i32
      %dma_wait3A_611 = arith.constant 0 : i32
      %dma_wait3A_612 = tpu.memref_slice %arg8[%dma_wait3A_599, %dma_wait3A_610, %dma_wait3A_611] : memref<2x2x128xi32, #tpu.memory_space<vmem>> -> memref<1x2x128xi32, #tpu.memory_space<vmem>>
      %dma_wait3A_613 = tpu.memref_squeeze %dma_wait3A_612 : memref<1x2x128xi32, #tpu.memory_space<vmem>> -> memref<2x128xi32, #tpu.memory_space<vmem>>
      %dma_wait3A_614 = arith.constant 0 : i32
      %dma_wait3A_615 = arith.constant 0 : i32
      %dma_wait3A_616 = tpu.memref_slice %arg3[%dma_wait3A_614, %dma_wait3A_615] : memref<2x320000xi32, #tpu.memory_space<hbm>> -> memref<2x128xi32, #tpu.memory_space<hbm>>
      tpu.wait_dma2 semaphore(%dma_wait3A_609 : memref<!tpu.dma_semaphore, #tpu.memory_space<semaphore_mem>>) src(%dma_wait3A_616 : memref<2x128xi32, #tpu.memory_space<hbm>>) dst(%dma_wait3A_613 : memref<2x128xi32, #tpu.memory_space<vmem>>)
      %dma_start3A_617 = arith.constant 1 : i32
      %dma_start3A_618 = arith.constant 1 : i32
      %dma_start3A_619 = arith.constant 0 : i32
      %dma_start3A_620 = arith.constant 1 : i32
      %dma_start3A_621 = arith.constant 0 : i32
      %dma_start3A_622 = arith.constant 0 : i32
      %dma_start3A_623 = tpu.memref_slice %arg7[%dma_start3A_617, %dma_start3A_621, %dma_start3A_622] : memref<2x128x128xf32, #tpu.memory_space<vmem>> -> memref<1x128x128xf32, #tpu.memory_space<vmem>>
      %dma_start3A_624 = tpu.memref_squeeze %dma_start3A_623 : memref<1x128x128xf32, #tpu.memory_space<vmem>> -> memref<128x128xf32, #tpu.memory_space<vmem>>
      %dma_start3A_625 = arith.constant 0 : i32
      %dma_start3A_626 = tpu.memref_slice %arg8[%dma_start3A_618, %dma_start3A_619, %dma_start3A_625] : memref<2x2x128xi32, #tpu.memory_space<vmem>> -> memref<1x1x128xi32, #tpu.memory_space<vmem>>
      %dma_start3A_627 = tpu.memref_squeeze %dma_start3A_626 : memref<1x1x128xi32, #tpu.memory_space<vmem>> -> memref<128xi32, #tpu.memory_space<vmem>>
      %dma_start3A_628 = arith.constant 0 : i32
      %dma_start3A_629 = arith.constant 0 : i32
      %dma_start3A_630 = tpu.memref_slice %arg6[%dma_start3A_628, %dma_start3A_629] : memref<10240x128xf32, #tpu.memory_space<vmem_shared>> -> memref<10240x128xf32, #tpu.memory_space<vmem_shared>>
      %dma_start3A_631 = tpu.memref_slice %arg10[%dma_start3A_620] : memref<2x!tpu.dma_semaphore, #tpu.memory_space<semaphore_mem>> -> memref<1x!tpu.dma_semaphore, #tpu.memory_space<semaphore_mem>>
      %dma_start3A_632 = tpu.memref_squeeze %dma_start3A_631 : memref<1x!tpu.dma_semaphore, #tpu.memory_space<semaphore_mem>> -> memref<!tpu.dma_semaphore, #tpu.memory_space<semaphore_mem>>
      tpu.enqueue_indirect_dma source(%dma_start3A_624 : memref<128x128xf32, #tpu.memory_space<vmem>>) target(%dma_start3A_630 : memref<10240x128xf32, #tpu.memory_space<vmem_shared>>) offsets(%dma_start3A_627 : memref<128xi32, #tpu.memory_space<vmem>>) semaphore(%dma_start3A_632 : memref<!tpu.dma_semaphore, #tpu.memory_space<semaphore_mem>>) {add = true}
      %dma_start3A_633 = arith.constant 1 : i32
      %dma_start3A_634 = arith.constant 1 : i32
      %dma_start3A_635 = arith.constant 1 : i32
      %dma_start3A_636 = arith.constant 1 : i32
      %dma_start3A_637 = arith.constant 0 : i32
      %dma_start3A_638 = arith.constant 0 : i32
      %dma_start3A_639 = tpu.memref_slice %arg7[%dma_start3A_633, %dma_start3A_637, %dma_start3A_638] : memref<2x128x128xf32, #tpu.memory_space<vmem>> -> memref<1x128x128xf32, #tpu.memory_space<vmem>>
      %dma_start3A_640 = tpu.memref_squeeze %dma_start3A_639 : memref<1x128x128xf32, #tpu.memory_space<vmem>> -> memref<128x128xf32, #tpu.memory_space<vmem>>
      %dma_start3A_641 = arith.constant 0 : i32
      %dma_start3A_642 = tpu.memref_slice %arg8[%dma_start3A_634, %dma_start3A_635, %dma_start3A_641] : memref<2x2x128xi32, #tpu.memory_space<vmem>> -> memref<1x1x128xi32, #tpu.memory_space<vmem>>
      %dma_start3A_643 = tpu.memref_squeeze %dma_start3A_642 : memref<1x1x128xi32, #tpu.memory_space<vmem>> -> memref<128xi32, #tpu.memory_space<vmem>>
      %dma_start3A_644 = arith.constant 0 : i32
      %dma_start3A_645 = arith.constant 0 : i32
      %dma_start3A_646 = tpu.memref_slice %arg6[%dma_start3A_644, %dma_start3A_645] : memref<10240x128xf32, #tpu.memory_space<vmem_shared>> -> memref<10240x128xf32, #tpu.memory_space<vmem_shared>>
      %dma_start3A_647 = tpu.memref_slice %arg10[%dma_start3A_636] : memref<2x!tpu.dma_semaphore, #tpu.memory_space<semaphore_mem>> -> memref<1x!tpu.dma_semaphore, #tpu.memory_space<semaphore_mem>>
      %dma_start3A_648 = tpu.memref_squeeze %dma_start3A_647 : memref<1x!tpu.dma_semaphore, #tpu.memory_space<semaphore_mem>> -> memref<!tpu.dma_semaphore, #tpu.memory_space<semaphore_mem>>
      tpu.enqueue_indirect_dma source(%dma_start3A_640 : memref<128x128xf32, #tpu.memory_space<vmem>>) target(%dma_start3A_646 : memref<10240x128xf32, #tpu.memory_space<vmem_shared>>) offsets(%dma_start3A_643 : memref<128xi32, #tpu.memory_space<vmem>>) semaphore(%dma_start3A_648 : memref<!tpu.dma_semaphore, #tpu.memory_space<semaphore_mem>>) {add = true}
      %ge3A_649 = arith.constant 1 : i32
      %ge3A_650 = arith.cmpi sge, %add3A_580, %ge3A_649 : i32
      %convert_element_type3A_651 = arith.extui %ge3A_650 : i1 to i32
      %cond3A_652 = arith.constant 0 : i32
      %cond3A_653 = arith.cmpi ne, %convert_element_type3A_651, %cond3A_652 : i32
      scf.if %cond3A_653 {
        %dma_wait3A_661 = arith.constant 0 : i32
        %dma_wait3A_662 = arith.constant 0 : i32
        %dma_wait3A_663 = arith.constant 0 : i32
        %dma_wait3A_664 = arith.constant 0 : i32
        %dma_wait3A_665 = arith.constant 0 : i32
        %dma_wait3A_666 = arith.constant 0 : i32
        %dma_wait3A_667 = tpu.memref_slice %arg7[%dma_wait3A_661, %dma_wait3A_665, %dma_wait3A_666] : memref<2x128x128xf32, #tpu.memory_space<vmem>> -> memref<1x128x128xf32, #tpu.memory_space<vmem>>
        %dma_wait3A_668 = tpu.memref_squeeze %dma_wait3A_667 : memref<1x128x128xf32, #tpu.memory_space<vmem>> -> memref<128x128xf32, #tpu.memory_space<vmem>>
        %dma_wait3A_669 = arith.constant 0 : i32
        %dma_wait3A_670 = tpu.memref_slice %arg8[%dma_wait3A_662, %dma_wait3A_663, %dma_wait3A_669] : memref<2x2x128xi32, #tpu.memory_space<vmem>> -> memref<1x1x128xi32, #tpu.memory_space<vmem>>
        %dma_wait3A_671 = tpu.memref_squeeze %dma_wait3A_670 : memref<1x1x128xi32, #tpu.memory_space<vmem>> -> memref<128xi32, #tpu.memory_space<vmem>>
        %dma_wait3A_672 = arith.constant 0 : i32
        %dma_wait3A_673 = arith.constant 0 : i32
        %dma_wait3A_674 = tpu.memref_slice %arg6[%dma_wait3A_672, %dma_wait3A_673] : memref<10240x128xf32, #tpu.memory_space<vmem_shared>> -> memref<10240x128xf32, #tpu.memory_space<vmem_shared>>
        %dma_wait3A_675 = tpu.memref_slice %arg10[%dma_wait3A_664] : memref<2x!tpu.dma_semaphore, #tpu.memory_space<semaphore_mem>> -> memref<1x!tpu.dma_semaphore, #tpu.memory_space<semaphore_mem>>
        %dma_wait3A_676 = tpu.memref_squeeze %dma_wait3A_675 : memref<1x!tpu.dma_semaphore, #tpu.memory_space<semaphore_mem>> -> memref<!tpu.dma_semaphore, #tpu.memory_space<semaphore_mem>>
        tpu.wait_indirect_dma semaphore(%dma_wait3A_676 : memref<!tpu.dma_semaphore, #tpu.memory_space<semaphore_mem>>) src(%dma_wait3A_668 : memref<128x128xf32, #tpu.memory_space<vmem>>) dst(%dma_wait3A_674 : memref<10240x128xf32, #tpu.memory_space<vmem_shared>>)
        %dma_wait3A_677 = arith.constant 0 : i32
        %dma_wait3A_678 = arith.constant 0 : i32
        %dma_wait3A_679 = arith.constant 1 : i32
        %dma_wait3A_680 = arith.constant 0 : i32
        %dma_wait3A_681 = arith.constant 0 : i32
        %dma_wait3A_682 = arith.constant 0 : i32
        %dma_wait3A_683 = tpu.memref_slice %arg7[%dma_wait3A_677, %dma_wait3A_681, %dma_wait3A_682] : memref<2x128x128xf32, #tpu.memory_space<vmem>> -> memref<1x128x128xf32, #tpu.memory_space<vmem>>
        %dma_wait3A_684 = tpu.memref_squeeze %dma_wait3A_683 : memref<1x128x128xf32, #tpu.memory_space<vmem>> -> memref<128x128xf32, #tpu.memory_space<vmem>>
        %dma_wait3A_685 = arith.constant 0 : i32
        %dma_wait3A_686 = tpu.memref_slice %arg8[%dma_wait3A_678, %dma_wait3A_679, %dma_wait3A_685] : memref<2x2x128xi32, #tpu.memory_space<vmem>> -> memref<1x1x128xi32, #tpu.memory_space<vmem>>
        %dma_wait3A_687 = tpu.memref_squeeze %dma_wait3A_686 : memref<1x1x128xi32, #tpu.memory_space<vmem>> -> memref<128xi32, #tpu.memory_space<vmem>>
        %dma_wait3A_688 = arith.constant 0 : i32
        %dma_wait3A_689 = arith.constant 0 : i32
        %dma_wait3A_690 = tpu.memref_slice %arg6[%dma_wait3A_688, %dma_wait3A_689] : memref<10240x128xf32, #tpu.memory_space<vmem_shared>> -> memref<10240x128xf32, #tpu.memory_space<vmem_shared>>
        %dma_wait3A_691 = tpu.memref_slice %arg10[%dma_wait3A_680] : memref<2x!tpu.dma_semaphore, #tpu.memory_space<semaphore_mem>> -> memref<1x!tpu.dma_semaphore, #tpu.memory_space<semaphore_mem>>
        %dma_wait3A_692 = tpu.memref_squeeze %dma_wait3A_691 : memref<1x!tpu.dma_semaphore, #tpu.memory_space<semaphore_mem>> -> memref<!tpu.dma_semaphore, #tpu.memory_space<semaphore_mem>>
        tpu.wait_indirect_dma semaphore(%dma_wait3A_692 : memref<!tpu.dma_semaphore, #tpu.memory_space<semaphore_mem>>) src(%dma_wait3A_684 : memref<128x128xf32, #tpu.memory_space<vmem>>) dst(%dma_wait3A_690 : memref<10240x128xf32, #tpu.memory_space<vmem_shared>>)
      } else {
      }
      %add3A_654 = arith.constant 1 : i32
      %add3A_655 = arith.addi %add3A_580, %add3A_654 : i32
      %lt3A_656 = arith.constant 78 : i32
      %lt3A_657 = arith.cmpi slt, %add3A_655, %lt3A_656 : i32
      %convert_element_type3A_658 = arith.extui %lt3A_657 : i1 to i32
      %cond3A_659 = arith.constant 0 : i32
      %cond3A_660 = arith.cmpi ne, %convert_element_type3A_658, %cond3A_659 : i32
      scf.if %cond3A_660 {
        %add3A_661 = arith.constant 1 : i32
        %add3A_662 = arith.addi %add3A_580, %add3A_661 : i32
        %mul3A_663 = arith.constant 32 : i32
        %mul3A_664 = arith.muli %add3A_662, %mul3A_663 : i32
        %add3A_665 = arith.addi %mul3A_664, %add3A : i32
        %mul3A_666 = arith.constant 128 : i32
        %mul3A_667 = arith.muli %add3A_665, %mul3A_666 : i32
        %dma_start3A_668 = arith.constant 0 : i32
        %dma_start3A_669 = arith.constant 0 : i32
        %dma_start3A_670 = arith.constant 0 : i32
        %dma_start3A_671 = arith.constant 0 : i32
        %dma_start3A_672 = tpu.memref_slice %arg7[%dma_start3A_668, %dma_start3A_670, %dma_start3A_671] : memref<2x128x128xf32, #tpu.memory_space<vmem>> -> memref<1x128x128xf32, #tpu.memory_space<vmem>>
        %dma_start3A_673 = tpu.memref_squeeze %dma_start3A_672 : memref<1x128x128xf32, #tpu.memory_space<vmem>> -> memref<128x128xf32, #tpu.memory_space<vmem>>
        %dma_start3A_674 = arith.constant 0 : i32
        %dma_start3A_675 = tpu.memref_slice %arg4[%mul3A_667, %dma_start3A_674] : memref<320000x128xf32, #tpu.memory_space<hbm>> -> memref<128x128xf32, #tpu.memory_space<hbm>>
        %dma_start3A_676 = tpu.memref_slice %arg9[%dma_start3A_669] : memref<2x!tpu.dma_semaphore, #tpu.memory_space<semaphore_mem>> -> memref<1x!tpu.dma_semaphore, #tpu.memory_space<semaphore_mem>>
        %dma_start3A_677 = tpu.memref_squeeze %dma_start3A_676 : memref<1x!tpu.dma_semaphore, #tpu.memory_space<semaphore_mem>> -> memref<!tpu.dma_semaphore, #tpu.memory_space<semaphore_mem>>
        %dma_start3A_678 = arith.constant 0 : i32
        %dma_start3A_679 = arith.constant 0 : i32
        %dma_start3A_680 = tpu.memref_slice %arg7[%dma_start3A_668, %dma_start3A_678, %dma_start3A_679] : memref<2x128x128xf32, #tpu.memory_space<vmem>> -> memref<1x128x128xf32, #tpu.memory_space<vmem>>
        %dma_start3A_681 = tpu.memref_squeeze %dma_start3A_680 : memref<1x128x128xf32, #tpu.memory_space<vmem>> -> memref<128x128xf32, #tpu.memory_space<vmem>>
        %dma_start3A_682 = arith.constant 0 : i32
        %dma_start3A_683 = tpu.memref_slice %arg4[%mul3A_667, %dma_start3A_682] : memref<320000x128xf32, #tpu.memory_space<hbm>> -> memref<128x128xf32, #tpu.memory_space<hbm>>
        tpu.enqueue_dma source(%dma_start3A_683 : memref<128x128xf32, #tpu.memory_space<hbm>>) target(%dma_start3A_681 : memref<128x128xf32, #tpu.memory_space<vmem>>) target_semaphore(%dma_start3A_677 : memref<!tpu.dma_semaphore, #tpu.memory_space<semaphore_mem>>)
        %dma_start3A_684 = arith.constant 0 : i32
        %dma_start3A_685 = arith.constant 0 : i32
        %dma_start3A_686 = arith.constant 0 : i32
        %dma_start3A_687 = arith.constant 0 : i32
        %dma_start3A_688 = tpu.memref_slice %arg8[%dma_start3A_684, %dma_start3A_686, %dma_start3A_687] : memref<2x2x128xi32, #tpu.memory_space<vmem>> -> memref<1x2x128xi32, #tpu.memory_space<vmem>>
        %dma_start3A_689 = tpu.memref_squeeze %dma_start3A_688 : memref<1x2x128xi32, #tpu.memory_space<vmem>> -> memref<2x128xi32, #tpu.memory_space<vmem>>
        %dma_start3A_690 = arith.constant 0 : i32
        %dma_start3A_691 = tpu.memref_slice %arg3[%dma_start3A_690, %mul3A_667] : memref<2x320000xi32, #tpu.memory_space<hbm>> -> memref<2x128xi32, #tpu.memory_space<hbm>>
        %dma_start3A_692 = tpu.memref_slice %arg9[%dma_start3A_685] : memref<2x!tpu.dma_semaphore, #tpu.memory_space<semaphore_mem>> -> memref<1x!tpu.dma_semaphore, #tpu.memory_space<semaphore_mem>>
        %dma_start3A_693 = tpu.memref_squeeze %dma_start3A_692 : memref<1x!tpu.dma_semaphore, #tpu.memory_space<semaphore_mem>> -> memref<!tpu.dma_semaphore, #tpu.memory_space<semaphore_mem>>
        %dma_start3A_694 = arith.constant 0 : i32
        %dma_start3A_695 = arith.constant 0 : i32
        %dma_start3A_696 = tpu.memref_slice %arg8[%dma_start3A_684, %dma_start3A_694, %dma_start3A_695] : memref<2x2x128xi32, #tpu.memory_space<vmem>> -> memref<1x2x128xi32, #tpu.memory_space<vmem>>
        %dma_start3A_697 = tpu.memref_squeeze %dma_start3A_696 : memref<1x2x128xi32, #tpu.memory_space<vmem>> -> memref<2x128xi32, #tpu.memory_space<vmem>>
        %dma_start3A_698 = arith.constant 0 : i32
        %dma_start3A_699 = tpu.memref_slice %arg3[%dma_start3A_698, %mul3A_667] : memref<2x320000xi32, #tpu.memory_space<hbm>> -> memref<2x128xi32, #tpu.memory_space<hbm>>
        tpu.enqueue_dma source(%dma_start3A_699 : memref<2x128xi32, #tpu.memory_space<hbm>>) target(%dma_start3A_697 : memref<2x128xi32, #tpu.memory_space<vmem>>) target_semaphore(%dma_start3A_693 : memref<!tpu.dma_semaphore, #tpu.memory_space<semaphore_mem>>)
      } else {
      }
    }
    %scan3A_227 = arith.constant 39 : i32
    %lt3A = arith.constant 4 : i32
    %lt3A_228 = arith.cmpi slt, %add3A, %lt3A : i32
    %convert_element_type3A = arith.extui %lt3A_228 : i1 to i32
    %cond3A = arith.constant 0 : i32
    %cond3A_229 = arith.cmpi ne, %convert_element_type3A, %cond3A : i32
    scf.if %cond3A_229 {
      %add3A_493 = arith.constant 2496 : i32
      %add3A_494 = arith.addi %add3A_493, %add3A : i32
      %mul3A_495 = arith.constant 128 : i32
      %mul3A_496 = arith.muli %add3A_494, %mul3A_495 : i32
      %dma_start3A_497 = arith.constant 0 : i32
      %dma_start3A_498 = arith.constant 0 : i32
      %dma_start3A_499 = arith.constant 0 : i32
      %dma_start3A_500 = arith.constant 0 : i32
      %dma_start3A_501 = tpu.memref_slice %arg7[%dma_start3A_497, %dma_start3A_499, %dma_start3A_500] : memref<2x128x128xf32, #tpu.memory_space<vmem>> -> memref<1x128x128xf32, #tpu.memory_space<vmem>>
      %dma_start3A_502 = tpu.memref_squeeze %dma_start3A_501 : memref<1x128x128xf32, #tpu.memory_space<vmem>> -> memref<128x128xf32, #tpu.memory_space<vmem>>
      %dma_start3A_503 = arith.constant 0 : i32
      %dma_start3A_504 = tpu.memref_slice %arg4[%mul3A_496, %dma_start3A_503] : memref<320000x128xf32, #tpu.memory_space<hbm>> -> memref<128x128xf32, #tpu.memory_space<hbm>>
      %dma_start3A_505 = tpu.memref_slice %arg9[%dma_start3A_498] : memref<2x!tpu.dma_semaphore, #tpu.memory_space<semaphore_mem>> -> memref<1x!tpu.dma_semaphore, #tpu.memory_space<semaphore_mem>>
      %dma_start3A_506 = tpu.memref_squeeze %dma_start3A_505 : memref<1x!tpu.dma_semaphore, #tpu.memory_space<semaphore_mem>> -> memref<!tpu.dma_semaphore, #tpu.memory_space<semaphore_mem>>
      %dma_start3A_507 = arith.constant 0 : i32
      %dma_start3A_508 = arith.constant 0 : i32
      %dma_start3A_509 = tpu.memref_slice %arg7[%dma_start3A_497, %dma_start3A_507, %dma_start3A_508] : memref<2x128x128xf32, #tpu.memory_space<vmem>> -> memref<1x128x128xf32, #tpu.memory_space<vmem>>
      %dma_start3A_510 = tpu.memref_squeeze %dma_start3A_509 : memref<1x128x128xf32, #tpu.memory_space<vmem>> -> memref<128x128xf32, #tpu.memory_space<vmem>>
      %dma_start3A_511 = arith.constant 0 : i32
      %dma_start3A_512 = tpu.memref_slice %arg4[%mul3A_496, %dma_start3A_511] : memref<320000x128xf32, #tpu.memory_space<hbm>> -> memref<128x128xf32, #tpu.memory_space<hbm>>
      tpu.enqueue_dma source(%dma_start3A_512 : memref<128x128xf32, #tpu.memory_space<hbm>>) target(%dma_start3A_510 : memref<128x128xf32, #tpu.memory_space<vmem>>) target_semaphore(%dma_start3A_506 : memref<!tpu.dma_semaphore, #tpu.memory_space<semaphore_mem>>)
      %dma_start3A_513 = arith.constant 0 : i32
      %dma_start3A_514 = arith.constant 0 : i32
      %dma_start3A_515 = arith.constant 0 : i32
      %dma_start3A_516 = arith.constant 0 : i32
      %dma_start3A_517 = tpu.memref_slice %arg8[%dma_start3A_513, %dma_start3A_515, %dma_start3A_516] : memref<2x2x128xi32, #tpu.memory_space<vmem>> -> memref<1x2x128xi32, #tpu.memory_space<vmem>>
      %dma_start3A_518 = tpu.memref_squeeze %dma_start3A_517 : memref<1x2x128xi32, #tpu.memory_space<vmem>> -> memref<2x128xi32, #tpu.memory_space<vmem>>
      %dma_start3A_519 = arith.constant 0 : i32
      %dma_start3A_520 = tpu.memref_slice %arg3[%dma_start3A_519, %mul3A_496] : memref<2x320000xi32, #tpu.memory_space<hbm>> -> memref<2x128xi32, #tpu.memory_space<hbm>>
      %dma_start3A_521 = tpu.memref_slice %arg9[%dma_start3A_514] : memref<2x!tpu.dma_semaphore, #tpu.memory_space<semaphore_mem>> -> memref<1x!tpu.dma_semaphore, #tpu.memory_space<semaphore_mem>>
      %dma_start3A_522 = tpu.memref_squeeze %dma_start3A_521 : memref<1x!tpu.dma_semaphore, #tpu.memory_space<semaphore_mem>> -> memref<!tpu.dma_semaphore, #tpu.memory_space<semaphore_mem>>
      %dma_start3A_523 = arith.constant 0 : i32
      %dma_start3A_524 = arith.constant 0 : i32
      %dma_start3A_525 = tpu.memref_slice %arg8[%dma_start3A_513, %dma_start3A_523, %dma_start3A_524] : memref<2x2x128xi32, #tpu.memory_space<vmem>> -> memref<1x2x128xi32, #tpu.memory_space<vmem>>
      %dma_start3A_526 = tpu.memref_squeeze %dma_start3A_525 : memref<1x2x128xi32, #tpu.memory_space<vmem>> -> memref<2x128xi32, #tpu.memory_space<vmem>>
      %dma_start3A_527 = arith.constant 0 : i32
      %dma_start3A_528 = tpu.memref_slice %arg3[%dma_start3A_527, %mul3A_496] : memref<2x320000xi32, #tpu.memory_space<hbm>> -> memref<2x128xi32, #tpu.memory_space<hbm>>
      tpu.enqueue_dma source(%dma_start3A_528 : memref<2x128xi32, #tpu.memory_space<hbm>>) target(%dma_start3A_526 : memref<2x128xi32, #tpu.memory_space<vmem>>) target_semaphore(%dma_start3A_522 : memref<!tpu.dma_semaphore, #tpu.memory_space<semaphore_mem>>)
    } else {
    }
    %dma_wait3A_230 = arith.constant 1 : i32
    %dma_wait3A_231 = arith.constant 1 : i32
    %dma_wait3A_232 = arith.constant 0 : i32
    %dma_wait3A_233 = arith.constant 1 : i32
    %dma_wait3A_234 = arith.constant 0 : i32
    %dma_wait3A_235 = arith.constant 0 : i32
    %dma_wait3A_236 = tpu.memref_slice %arg7[%dma_wait3A_230, %dma_wait3A_234, %dma_wait3A_235] : memref<2x128x128xf32, #tpu.memory_space<vmem>> -> memref<1x128x128xf32, #tpu.memory_space<vmem>>
    %dma_wait3A_237 = tpu.memref_squeeze %dma_wait3A_236 : memref<1x128x128xf32, #tpu.memory_space<vmem>> -> memref<128x128xf32, #tpu.memory_space<vmem>>
    %dma_wait3A_238 = arith.constant 0 : i32
    %dma_wait3A_239 = tpu.memref_slice %arg8[%dma_wait3A_231, %dma_wait3A_232, %dma_wait3A_238] : memref<2x2x128xi32, #tpu.memory_space<vmem>> -> memref<1x1x128xi32, #tpu.memory_space<vmem>>
    %dma_wait3A_240 = tpu.memref_squeeze %dma_wait3A_239 : memref<1x1x128xi32, #tpu.memory_space<vmem>> -> memref<128xi32, #tpu.memory_space<vmem>>
    %dma_wait3A_241 = arith.constant 0 : i32
    %dma_wait3A_242 = arith.constant 0 : i32
    %dma_wait3A_243 = tpu.memref_slice %arg6[%dma_wait3A_241, %dma_wait3A_242] : memref<10240x128xf32, #tpu.memory_space<vmem_shared>> -> memref<10240x128xf32, #tpu.memory_space<vmem_shared>>
    %dma_wait3A_244 = tpu.memref_slice %arg10[%dma_wait3A_233] : memref<2x!tpu.dma_semaphore, #tpu.memory_space<semaphore_mem>> -> memref<1x!tpu.dma_semaphore, #tpu.memory_space<semaphore_mem>>
    %dma_wait3A_245 = tpu.memref_squeeze %dma_wait3A_244 : memref<1x!tpu.dma_semaphore, #tpu.memory_space<semaphore_mem>> -> memref<!tpu.dma_semaphore, #tpu.memory_space<semaphore_mem>>
    tpu.wait_indirect_dma semaphore(%dma_wait3A_245 : memref<!tpu.dma_semaphore, #tpu.memory_space<semaphore_mem>>) src(%dma_wait3A_237 : memref<128x128xf32, #tpu.memory_space<vmem>>) dst(%dma_wait3A_243 : memref<10240x128xf32, #tpu.memory_space<vmem_shared>>)
    %dma_wait3A_246 = arith.constant 1 : i32
    %dma_wait3A_247 = arith.constant 1 : i32
    %dma_wait3A_248 = arith.constant 1 : i32
    %dma_wait3A_249 = arith.constant 1 : i32
    %dma_wait3A_250 = arith.constant 0 : i32
    %dma_wait3A_251 = arith.constant 0 : i32
    %dma_wait3A_252 = tpu.memref_slice %arg7[%dma_wait3A_246, %dma_wait3A_250, %dma_wait3A_251] : memref<2x128x128xf32, #tpu.memory_space<vmem>> -> memref<1x128x128xf32, #tpu.memory_space<vmem>>
    %dma_wait3A_253 = tpu.memref_squeeze %dma_wait3A_252 : memref<1x128x128xf32, #tpu.memory_space<vmem>> -> memref<128x128xf32, #tpu.memory_space<vmem>>
    %dma_wait3A_254 = arith.constant 0 : i32
    %dma_wait3A_255 = tpu.memref_slice %arg8[%dma_wait3A_247, %dma_wait3A_248, %dma_wait3A_254] : memref<2x2x128xi32, #tpu.memory_space<vmem>> -> memref<1x1x128xi32, #tpu.memory_space<vmem>>
    %dma_wait3A_256 = tpu.memref_squeeze %dma_wait3A_255 : memref<1x1x128xi32, #tpu.memory_space<vmem>> -> memref<128xi32, #tpu.memory_space<vmem>>
    %dma_wait3A_257 = arith.constant 0 : i32
    %dma_wait3A_258 = arith.constant 0 : i32
    %dma_wait3A_259 = tpu.memref_slice %arg6[%dma_wait3A_257, %dma_wait3A_258] : memref<10240x128xf32, #tpu.memory_space<vmem_shared>> -> memref<10240x128xf32, #tpu.memory_space<vmem_shared>>
    %dma_wait3A_260 = tpu.memref_slice %arg10[%dma_wait3A_249] : memref<2x!tpu.dma_semaphore, #tpu.memory_space<semaphore_mem>> -> memref<1x!tpu.dma_semaphore, #tpu.memory_space<semaphore_mem>>
    %dma_wait3A_261 = tpu.memref_squeeze %dma_wait3A_260 : memref<1x!tpu.dma_semaphore, #tpu.memory_space<semaphore_mem>> -> memref<!tpu.dma_semaphore, #tpu.memory_space<semaphore_mem>>
    tpu.wait_indirect_dma semaphore(%dma_wait3A_261 : memref<!tpu.dma_semaphore, #tpu.memory_space<semaphore_mem>>) src(%dma_wait3A_253 : memref<128x128xf32, #tpu.memory_space<vmem>>) dst(%dma_wait3A_259 : memref<10240x128xf32, #tpu.memory_space<vmem_shared>>)
    %lt3A_262 = arith.constant 4 : i32
    %lt3A_263 = arith.cmpi slt, %add3A, %lt3A_262 : i32
    %convert_element_type3A_264 = arith.extui %lt3A_263 : i1 to i32
    %cond3A_265 = arith.constant 0 : i32
    %cond3A_266 = arith.cmpi ne, %convert_element_type3A_264, %cond3A_265 : i32
    scf.if %cond3A_266 {
      %dma_wait3A_493 = arith.constant 0 : i32
      %dma_wait3A_494 = arith.constant 0 : i32
      %dma_wait3A_495 = arith.constant 0 : i32
      %dma_wait3A_496 = arith.constant 0 : i32
      %dma_wait3A_497 = tpu.memref_slice %arg7[%dma_wait3A_493, %dma_wait3A_495, %dma_wait3A_496] : memref<2x128x128xf32, #tpu.memory_space<vmem>> -> memref<1x128x128xf32, #tpu.memory_space<vmem>>
      %dma_wait3A_498 = tpu.memref_squeeze %dma_wait3A_497 : memref<1x128x128xf32, #tpu.memory_space<vmem>> -> memref<128x128xf32, #tpu.memory_space<vmem>>
      %dma_wait3A_499 = arith.constant 0 : i32
      %dma_wait3A_500 = arith.constant 0 : i32
      %dma_wait3A_501 = tpu.memref_slice %arg4[%dma_wait3A_499, %dma_wait3A_500] : memref<320000x128xf32, #tpu.memory_space<hbm>> -> memref<128x128xf32, #tpu.memory_space<hbm>>
      %dma_wait3A_502 = tpu.memref_slice %arg9[%dma_wait3A_494] : memref<2x!tpu.dma_semaphore, #tpu.memory_space<semaphore_mem>> -> memref<1x!tpu.dma_semaphore, #tpu.memory_space<semaphore_mem>>
      %dma_wait3A_503 = tpu.memref_squeeze %dma_wait3A_502 : memref<1x!tpu.dma_semaphore, #tpu.memory_space<semaphore_mem>> -> memref<!tpu.dma_semaphore, #tpu.memory_space<semaphore_mem>>
      %dma_wait3A_504 = arith.constant 0 : i32
      %dma_wait3A_505 = arith.constant 0 : i32
      %dma_wait3A_506 = tpu.memref_slice %arg7[%dma_wait3A_493, %dma_wait3A_504, %dma_wait3A_505] : memref<2x128x128xf32, #tpu.memory_space<vmem>> -> memref<1x128x128xf32, #tpu.memory_space<vmem>>
      %dma_wait3A_507 = tpu.memref_squeeze %dma_wait3A_506 : memref<1x128x128xf32, #tpu.memory_space<vmem>> -> memref<128x128xf32, #tpu.memory_space<vmem>>
      %dma_wait3A_508 = arith.constant 0 : i32
      %dma_wait3A_509 = arith.constant 0 : i32
      %dma_wait3A_510 = tpu.memref_slice %arg4[%dma_wait3A_508, %dma_wait3A_509] : memref<320000x128xf32, #tpu.memory_space<hbm>> -> memref<128x128xf32, #tpu.memory_space<hbm>>
      tpu.wait_dma2 semaphore(%dma_wait3A_503 : memref<!tpu.dma_semaphore, #tpu.memory_space<semaphore_mem>>) src(%dma_wait3A_510 : memref<128x128xf32, #tpu.memory_space<hbm>>) dst(%dma_wait3A_507 : memref<128x128xf32, #tpu.memory_space<vmem>>)
      %dma_wait3A_511 = arith.constant 0 : i32
      %dma_wait3A_512 = arith.constant 0 : i32
      %dma_wait3A_513 = arith.constant 0 : i32
      %dma_wait3A_514 = arith.constant 0 : i32
      %dma_wait3A_515 = tpu.memref_slice %arg8[%dma_wait3A_511, %dma_wait3A_513, %dma_wait3A_514] : memref<2x2x128xi32, #tpu.memory_space<vmem>> -> memref<1x2x128xi32, #tpu.memory_space<vmem>>
      %dma_wait3A_516 = tpu.memref_squeeze %dma_wait3A_515 : memref<1x2x128xi32, #tpu.memory_space<vmem>> -> memref<2x128xi32, #tpu.memory_space<vmem>>
      %dma_wait3A_517 = arith.constant 0 : i32
      %dma_wait3A_518 = arith.constant 0 : i32
      %dma_wait3A_519 = tpu.memref_slice %arg3[%dma_wait3A_517, %dma_wait3A_518] : memref<2x320000xi32, #tpu.memory_space<hbm>> -> memref<2x128xi32, #tpu.memory_space<hbm>>
      %dma_wait3A_520 = tpu.memref_slice %arg9[%dma_wait3A_512] : memref<2x!tpu.dma_semaphore, #tpu.memory_space<semaphore_mem>> -> memref<1x!tpu.dma_semaphore, #tpu.memory_space<semaphore_mem>>
      %dma_wait3A_521 = tpu.memref_squeeze %dma_wait3A_520 : memref<1x!tpu.dma_semaphore, #tpu.memory_space<semaphore_mem>> -> memref<!tpu.dma_semaphore, #tpu.memory_space<semaphore_mem>>
      %dma_wait3A_522 = arith.constant 0 : i32
      %dma_wait3A_523 = arith.constant 0 : i32
      %dma_wait3A_524 = tpu.memref_slice %arg8[%dma_wait3A_511, %dma_wait3A_522, %dma_wait3A_523] : memref<2x2x128xi32, #tpu.memory_space<vmem>> -> memref<1x2x128xi32, #tpu.memory_space<vmem>>
      %dma_wait3A_525 = tpu.memref_squeeze %dma_wait3A_524 : memref<1x2x128xi32, #tpu.memory_space<vmem>> -> memref<2x128xi32, #tpu.memory_space<vmem>>
      %dma_wait3A_526 = arith.constant 0 : i32
      %dma_wait3A_527 = arith.constant 0 : i32
      %dma_wait3A_528 = tpu.memref_slice %arg3[%dma_wait3A_526, %dma_wait3A_527] : memref<2x320000xi32, #tpu.memory_space<hbm>> -> memref<2x128xi32, #tpu.memory_space<hbm>>
      tpu.wait_dma2 semaphore(%dma_wait3A_521 : memref<!tpu.dma_semaphore, #tpu.memory_space<semaphore_mem>>) src(%dma_wait3A_528 : memref<2x128xi32, #tpu.memory_space<hbm>>) dst(%dma_wait3A_525 : memref<2x128xi32, #tpu.memory_space<vmem>>)
      %dma_start3A_529 = arith.constant 0 : i32
      %dma_start3A_530 = arith.constant 0 : i32
      %dma_start3A_531 = arith.constant 0 : i32
      %dma_start3A_532 = arith.constant 0 : i32
      %dma_start3A_533 = arith.constant 0 : i32
      %dma_start3A_534 = arith.constant 0 : i32
      %dma_start3A_535 = tpu.memref_slice %arg7[%dma_start3A_529, %dma_start3A_533, %dma_start3A_534] : memref<2x128x128xf32, #tpu.memory_space<vmem>> -> memref<1x128x128xf32, #tpu.memory_space<vmem>>
      %dma_start3A_536 = tpu.memref_squeeze %dma_start3A_535 : memref<1x128x128xf32, #tpu.memory_space<vmem>> -> memref<128x128xf32, #tpu.memory_space<vmem>>
      %dma_start3A_537 = arith.constant 0 : i32
      %dma_start3A_538 = tpu.memref_slice %arg8[%dma_start3A_530, %dma_start3A_531, %dma_start3A_537] : memref<2x2x128xi32, #tpu.memory_space<vmem>> -> memref<1x1x128xi32, #tpu.memory_space<vmem>>
      %dma_start3A_539 = tpu.memref_squeeze %dma_start3A_538 : memref<1x1x128xi32, #tpu.memory_space<vmem>> -> memref<128xi32, #tpu.memory_space<vmem>>
      %dma_start3A_540 = arith.constant 0 : i32
      %dma_start3A_541 = arith.constant 0 : i32
      %dma_start3A_542 = tpu.memref_slice %arg6[%dma_start3A_540, %dma_start3A_541] : memref<10240x128xf32, #tpu.memory_space<vmem_shared>> -> memref<10240x128xf32, #tpu.memory_space<vmem_shared>>
      %dma_start3A_543 = tpu.memref_slice %arg10[%dma_start3A_532] : memref<2x!tpu.dma_semaphore, #tpu.memory_space<semaphore_mem>> -> memref<1x!tpu.dma_semaphore, #tpu.memory_space<semaphore_mem>>
      %dma_start3A_544 = tpu.memref_squeeze %dma_start3A_543 : memref<1x!tpu.dma_semaphore, #tpu.memory_space<semaphore_mem>> -> memref<!tpu.dma_semaphore, #tpu.memory_space<semaphore_mem>>
      tpu.enqueue_indirect_dma source(%dma_start3A_536 : memref<128x128xf32, #tpu.memory_space<vmem>>) target(%dma_start3A_542 : memref<10240x128xf32, #tpu.memory_space<vmem_shared>>) offsets(%dma_start3A_539 : memref<128xi32, #tpu.memory_space<vmem>>) semaphore(%dma_start3A_544 : memref<!tpu.dma_semaphore, #tpu.memory_space<semaphore_mem>>) {add = true}
      %dma_start3A_545 = arith.constant 0 : i32
      %dma_start3A_546 = arith.constant 0 : i32
      %dma_start3A_547 = arith.constant 1 : i32
      %dma_start3A_548 = arith.constant 0 : i32
      %dma_start3A_549 = arith.constant 0 : i32
      %dma_start3A_550 = arith.constant 0 : i32
      %dma_start3A_551 = tpu.memref_slice %arg7[%dma_start3A_545, %dma_start3A_549, %dma_start3A_550] : memref<2x128x128xf32, #tpu.memory_space<vmem>> -> memref<1x128x128xf32, #tpu.memory_space<vmem>>
      %dma_start3A_552 = tpu.memref_squeeze %dma_start3A_551 : memref<1x128x128xf32, #tpu.memory_space<vmem>> -> memref<128x128xf32, #tpu.memory_space<vmem>>
      %dma_start3A_553 = arith.constant 0 : i32
      %dma_start3A_554 = tpu.memref_slice %arg8[%dma_start3A_546, %dma_start3A_547, %dma_start3A_553] : memref<2x2x128xi32, #tpu.memory_space<vmem>> -> memref<1x1x128xi32, #tpu.memory_space<vmem>>
      %dma_start3A_555 = tpu.memref_squeeze %dma_start3A_554 : memref<1x1x128xi32, #tpu.memory_space<vmem>> -> memref<128xi32, #tpu.memory_space<vmem>>
      %dma_start3A_556 = arith.constant 0 : i32
      %dma_start3A_557 = arith.constant 0 : i32
      %dma_start3A_558 = tpu.memref_slice %arg6[%dma_start3A_556, %dma_start3A_557] : memref<10240x128xf32, #tpu.memory_space<vmem_shared>> -> memref<10240x128xf32, #tpu.memory_space<vmem_shared>>
      %dma_start3A_559 = tpu.memref_slice %arg10[%dma_start3A_548] : memref<2x!tpu.dma_semaphore, #tpu.memory_space<semaphore_mem>> -> memref<1x!tpu.dma_semaphore, #tpu.memory_space<semaphore_mem>>
      %dma_start3A_560 = tpu.memref_squeeze %dma_start3A_559 : memref<1x!tpu.dma_semaphore, #tpu.memory_space<semaphore_mem>> -> memref<!tpu.dma_semaphore, #tpu.memory_space<semaphore_mem>>
      tpu.enqueue_indirect_dma source(%dma_start3A_552 : memref<128x128xf32, #tpu.memory_space<vmem>>) target(%dma_start3A_558 : memref<10240x128xf32, #tpu.memory_space<vmem_shared>>) offsets(%dma_start3A_555 : memref<128xi32, #tpu.memory_space<vmem>>) semaphore(%dma_start3A_560 : memref<!tpu.dma_semaphore, #tpu.memory_space<semaphore_mem>>) {add = true}
      %dma_wait3A_561 = arith.constant 0 : i32
      %dma_wait3A_562 = arith.constant 0 : i32
      %dma_wait3A_563 = arith.constant 0 : i32
      %dma_wait3A_564 = arith.constant 0 : i32
      %dma_wait3A_565 = arith.constant 0 : i32
      %dma_wait3A_566 = arith.constant 0 : i32
      %dma_wait3A_567 = tpu.memref_slice %arg7[%dma_wait3A_561, %dma_wait3A_565, %dma_wait3A_566] : memref<2x128x128xf32, #tpu.memory_space<vmem>> -> memref<1x128x128xf32, #tpu.memory_space<vmem>>
      %dma_wait3A_568 = tpu.memref_squeeze %dma_wait3A_567 : memref<1x128x128xf32, #tpu.memory_space<vmem>> -> memref<128x128xf32, #tpu.memory_space<vmem>>
      %dma_wait3A_569 = arith.constant 0 : i32
      %dma_wait3A_570 = tpu.memref_slice %arg8[%dma_wait3A_562, %dma_wait3A_563, %dma_wait3A_569] : memref<2x2x128xi32, #tpu.memory_space<vmem>> -> memref<1x1x128xi32, #tpu.memory_space<vmem>>
      %dma_wait3A_571 = tpu.memref_squeeze %dma_wait3A_570 : memref<1x1x128xi32, #tpu.memory_space<vmem>> -> memref<128xi32, #tpu.memory_space<vmem>>
      %dma_wait3A_572 = arith.constant 0 : i32
      %dma_wait3A_573 = arith.constant 0 : i32
      %dma_wait3A_574 = tpu.memref_slice %arg6[%dma_wait3A_572, %dma_wait3A_573] : memref<10240x128xf32, #tpu.memory_space<vmem_shared>> -> memref<10240x128xf32, #tpu.memory_space<vmem_shared>>
      %dma_wait3A_575 = tpu.memref_slice %arg10[%dma_wait3A_564] : memref<2x!tpu.dma_semaphore, #tpu.memory_space<semaphore_mem>> -> memref<1x!tpu.dma_semaphore, #tpu.memory_space<semaphore_mem>>
      %dma_wait3A_576 = tpu.memref_squeeze %dma_wait3A_575 : memref<1x!tpu.dma_semaphore, #tpu.memory_space<semaphore_mem>> -> memref<!tpu.dma_semaphore, #tpu.memory_space<semaphore_mem>>
      tpu.wait_indirect_dma semaphore(%dma_wait3A_576 : memref<!tpu.dma_semaphore, #tpu.memory_space<semaphore_mem>>) src(%dma_wait3A_568 : memref<128x128xf32, #tpu.memory_space<vmem>>) dst(%dma_wait3A_574 : memref<10240x128xf32, #tpu.memory_space<vmem_shared>>)
      %dma_wait3A_577 = arith.constant 0 : i32
      %dma_wait3A_578 = arith.constant 0 : i32
      %dma_wait3A_579 = arith.constant 1 : i32
      %dma_wait3A_580 = arith.constant 0 : i32
      %dma_wait3A_581 = arith.constant 0 : i32
      %dma_wait3A_582 = arith.constant 0 : i32
      %dma_wait3A_583 = tpu.memref_slice %arg7[%dma_wait3A_577, %dma_wait3A_581, %dma_wait3A_582] : memref<2x128x128xf32, #tpu.memory_space<vmem>> -> memref<1x128x128xf32, #tpu.memory_space<vmem>>
      %dma_wait3A_584 = tpu.memref_squeeze %dma_wait3A_583 : memref<1x128x128xf32, #tpu.memory_space<vmem>> -> memref<128x128xf32, #tpu.memory_space<vmem>>
      %dma_wait3A_585 = arith.constant 0 : i32
      %dma_wait3A_586 = tpu.memref_slice %arg8[%dma_wait3A_578, %dma_wait3A_579, %dma_wait3A_585] : memref<2x2x128xi32, #tpu.memory_space<vmem>> -> memref<1x1x128xi32, #tpu.memory_space<vmem>>
      %dma_wait3A_587 = tpu.memref_squeeze %dma_wait3A_586 : memref<1x1x128xi32, #tpu.memory_space<vmem>> -> memref<128xi32, #tpu.memory_space<vmem>>
      %dma_wait3A_588 = arith.constant 0 : i32
      %dma_wait3A_589 = arith.constant 0 : i32
      %dma_wait3A_590 = tpu.memref_slice %arg6[%dma_wait3A_588, %dma_wait3A_589] : memref<10240x128xf32, #tpu.memory_space<vmem_shared>> -> memref<10240x128xf32, #tpu.memory_space<vmem_shared>>
      %dma_wait3A_591 = tpu.memref_slice %arg10[%dma_wait3A_580] : memref<2x!tpu.dma_semaphore, #tpu.memory_space<semaphore_mem>> -> memref<1x!tpu.dma_semaphore, #tpu.memory_space<semaphore_mem>>
      %dma_wait3A_592 = tpu.memref_squeeze %dma_wait3A_591 : memref<1x!tpu.dma_semaphore, #tpu.memory_space<semaphore_mem>> -> memref<!tpu.dma_semaphore, #tpu.memory_space<semaphore_mem>>
      tpu.wait_indirect_dma semaphore(%dma_wait3A_592 : memref<!tpu.dma_semaphore, #tpu.memory_space<semaphore_mem>>) src(%dma_wait3A_584 : memref<128x128xf32, #tpu.memory_space<vmem>>) dst(%dma_wait3A_590 : memref<10240x128xf32, #tpu.memory_space<vmem_shared>>)
    } else {
    }
    %barrier3A_267 = arith.constant 0 : index
    tpu.barrier barrier_id(%barrier3A_267)
    %mul3A_268 = arith.constant 640 : i32
    %mul3A_269 = arith.muli %arg1, %mul3A_268 : i32
    %add3A_270 = arith.constant 0 : i32
    %add3A_271 = arith.addi %mul3A_269, %add3A_270 : i32
    %run_scoped3A_272 = arith.constant 0 : i32
    "tpu.region"() ({
      %run_scoped3A_493 = tpu.sem_alloc : memref<!tpu.dma_semaphore, #tpu.memory_space<semaphore_mem>>
      %dma_start3A_494 = arith.constant 0 : i32
      %dma_start3A_495 = arith.constant 0 : i32
      %dma_start3A_496 = tpu.memref_slice %arg7[%run_scoped3A_272, %dma_start3A_494, %dma_start3A_495] : memref<2x128x128xf32, #tpu.memory_space<vmem>> -> memref<1x128x128xf32, #tpu.memory_space<vmem>>
      %dma_start3A_497 = tpu.memref_squeeze %dma_start3A_496 : memref<1x128x128xf32, #tpu.memory_space<vmem>> -> memref<128x128xf32, #tpu.memory_space<vmem>>
      %dma_start3A_498 = arith.constant 0 : i32
      %dma_start3A_499 = tpu.memref_slice %arg6[%add3A_271, %dma_start3A_498] : memref<10240x128xf32, #tpu.memory_space<vmem_shared>> -> memref<128x128xf32, #tpu.memory_space<vmem_shared>>
      %dma_start3A_500 = arith.constant 0 : i32
      %dma_start3A_501 = arith.constant 0 : i32
      %dma_start3A_502 = tpu.memref_slice %arg7[%run_scoped3A_272, %dma_start3A_500, %dma_start3A_501] : memref<2x128x128xf32, #tpu.memory_space<vmem>> -> memref<1x128x128xf32, #tpu.memory_space<vmem>>
      %dma_start3A_503 = tpu.memref_squeeze %dma_start3A_502 : memref<1x128x128xf32, #tpu.memory_space<vmem>> -> memref<128x128xf32, #tpu.memory_space<vmem>>
      %dma_start3A_504 = arith.constant 0 : i32
      %dma_start3A_505 = tpu.memref_slice %arg6[%add3A_271, %dma_start3A_504] : memref<10240x128xf32, #tpu.memory_space<vmem_shared>> -> memref<128x128xf32, #tpu.memory_space<vmem_shared>>
      tpu.enqueue_dma source(%dma_start3A_505 : memref<128x128xf32, #tpu.memory_space<vmem_shared>>) target(%dma_start3A_503 : memref<128x128xf32, #tpu.memory_space<vmem>>) target_semaphore(%run_scoped3A_493 : memref<!tpu.dma_semaphore, #tpu.memory_space<semaphore_mem>>)
      %dma_wait3A_506 = arith.constant 0 : i32
      %dma_wait3A_507 = arith.constant 0 : i32
      %dma_wait3A_508 = tpu.memref_slice %arg7[%run_scoped3A_272, %dma_wait3A_506, %dma_wait3A_507] : memref<2x128x128xf32, #tpu.memory_space<vmem>> -> memref<1x128x128xf32, #tpu.memory_space<vmem>>
      %dma_wait3A_509 = tpu.memref_squeeze %dma_wait3A_508 : memref<1x128x128xf32, #tpu.memory_space<vmem>> -> memref<128x128xf32, #tpu.memory_space<vmem>>
      %dma_wait3A_510 = arith.constant 0 : i32
      %dma_wait3A_511 = tpu.memref_slice %arg6[%add3A_271, %dma_wait3A_510] : memref<10240x128xf32, #tpu.memory_space<vmem_shared>> -> memref<128x128xf32, #tpu.memory_space<vmem_shared>>
      %dma_wait3A_512 = arith.constant 0 : i32
      %dma_wait3A_513 = arith.constant 0 : i32
      %dma_wait3A_514 = tpu.memref_slice %arg7[%run_scoped3A_272, %dma_wait3A_512, %dma_wait3A_513] : memref<2x128x128xf32, #tpu.memory_space<vmem>> -> memref<1x128x128xf32, #tpu.memory_space<vmem>>
      %dma_wait3A_515 = tpu.memref_squeeze %dma_wait3A_514 : memref<1x128x128xf32, #tpu.memory_space<vmem>> -> memref<128x128xf32, #tpu.memory_space<vmem>>
      %dma_wait3A_516 = arith.constant 0 : i32
      %dma_wait3A_517 = tpu.memref_slice %arg6[%add3A_271, %dma_wait3A_516] : memref<10240x128xf32, #tpu.memory_space<vmem_shared>> -> memref<128x128xf32, #tpu.memory_space<vmem_shared>>
      tpu.wait_dma2 semaphore(%run_scoped3A_493 : memref<!tpu.dma_semaphore, #tpu.memory_space<semaphore_mem>>) src(%dma_wait3A_517 : memref<128x128xf32, #tpu.memory_space<vmem_shared>>) dst(%dma_wait3A_515 : memref<128x128xf32, #tpu.memory_space<vmem>>)
      tpu.yield
    }) : () -> ()
    %dma_start3A_273 = arith.constant 0 : i32
    %dma_start3A_274 = arith.constant 0 : i32
    %dma_start3A_275 = arith.constant 0 : i32
    %dma_start3A_276 = arith.constant 0 : i32
    %dma_start3A_277 = tpu.memref_slice %arg7[%dma_start3A_273, %dma_start3A_275, %dma_start3A_276] : memref<2x128x128xf32, #tpu.memory_space<vmem>> -> memref<1x128x128xf32, #tpu.memory_space<vmem>>
    %dma_start3A_278 = tpu.memref_squeeze %dma_start3A_277 : memref<1x128x128xf32, #tpu.memory_space<vmem>> -> memref<128x128xf32, #tpu.memory_space<vmem>>
    %dma_start3A_279 = arith.constant 0 : i32
    %dma_start3A_280 = tpu.memref_slice %arg5[%arg0, %add3A_271, %dma_start3A_279] : memref<2x10240x128xf32, #tpu.memory_space<hbm>> -> memref<1x128x128xf32, #tpu.memory_space<hbm>>
    %dma_start3A_281 = tpu.memref_squeeze %dma_start3A_280 : memref<1x128x128xf32, #tpu.memory_space<hbm>> -> memref<128x128xf32, #tpu.memory_space<hbm>>
    %dma_start3A_282 = tpu.memref_slice %arg9[%dma_start3A_274] : memref<2x!tpu.dma_semaphore, #tpu.memory_space<semaphore_mem>> -> memref<1x!tpu.dma_semaphore, #tpu.memory_space<semaphore_mem>>
    %dma_start3A_283 = tpu.memref_squeeze %dma_start3A_282 : memref<1x!tpu.dma_semaphore, #tpu.memory_space<semaphore_mem>> -> memref<!tpu.dma_semaphore, #tpu.memory_space<semaphore_mem>>
    %dma_start3A_284 = arith.constant 0 : i32
    %dma_start3A_285 = tpu.memref_slice %arg5[%arg0, %add3A_271, %dma_start3A_284] : memref<2x10240x128xf32, #tpu.memory_space<hbm>> -> memref<1x128x128xf32, #tpu.memory_space<hbm>>
    %dma_start3A_286 = tpu.memref_squeeze %dma_start3A_285 : memref<1x128x128xf32, #tpu.memory_space<hbm>> -> memref<128x128xf32, #tpu.memory_space<hbm>>
    %dma_start3A_287 = arith.constant 0 : i32
    %dma_start3A_288 = arith.constant 0 : i32
    %dma_start3A_289 = tpu.memref_slice %arg7[%dma_start3A_273, %dma_start3A_287, %dma_start3A_288] : memref<2x128x128xf32, #tpu.memory_space<vmem>> -> memref<1x128x128xf32, #tpu.memory_space<vmem>>
    %dma_start3A_290 = tpu.memref_squeeze %dma_start3A_289 : memref<1x128x128xf32, #tpu.memory_space<vmem>> -> memref<128x128xf32, #tpu.memory_space<vmem>>
    tpu.enqueue_dma source(%dma_start3A_290 : memref<128x128xf32, #tpu.memory_space<vmem>>) target(%dma_start3A_286 : memref<128x128xf32, #tpu.memory_space<hbm>>) target_semaphore(%dma_start3A_283 : memref<!tpu.dma_semaphore, #tpu.memory_space<semaphore_mem>>)
    %mul3A_291 = arith.constant 640 : i32
    %mul3A_292 = arith.muli %arg1, %mul3A_291 : i32
    %add3A_293 = arith.constant 128 : i32
    %add3A_294 = arith.addi %mul3A_292, %add3A_293 : i32
    %run_scoped3A_295 = arith.constant 1 : i32
    "tpu.region"() ({
      %run_scoped3A_493 = tpu.sem_alloc : memref<!tpu.dma_semaphore, #tpu.memory_space<semaphore_mem>>
      %dma_start3A_494 = arith.constant 0 : i32
      %dma_start3A_495 = arith.constant 0 : i32
      %dma_start3A_496 = tpu.memref_slice %arg7[%run_scoped3A_295, %dma_start3A_494, %dma_start3A_495] : memref<2x128x128xf32, #tpu.memory_space<vmem>> -> memref<1x128x128xf32, #tpu.memory_space<vmem>>
      %dma_start3A_497 = tpu.memref_squeeze %dma_start3A_496 : memref<1x128x128xf32, #tpu.memory_space<vmem>> -> memref<128x128xf32, #tpu.memory_space<vmem>>
      %dma_start3A_498 = arith.constant 0 : i32
      %dma_start3A_499 = tpu.memref_slice %arg6[%add3A_294, %dma_start3A_498] : memref<10240x128xf32, #tpu.memory_space<vmem_shared>> -> memref<128x128xf32, #tpu.memory_space<vmem_shared>>
      %dma_start3A_500 = arith.constant 0 : i32
      %dma_start3A_501 = arith.constant 0 : i32
      %dma_start3A_502 = tpu.memref_slice %arg7[%run_scoped3A_295, %dma_start3A_500, %dma_start3A_501] : memref<2x128x128xf32, #tpu.memory_space<vmem>> -> memref<1x128x128xf32, #tpu.memory_space<vmem>>
      %dma_start3A_503 = tpu.memref_squeeze %dma_start3A_502 : memref<1x128x128xf32, #tpu.memory_space<vmem>> -> memref<128x128xf32, #tpu.memory_space<vmem>>
      %dma_start3A_504 = arith.constant 0 : i32
      %dma_start3A_505 = tpu.memref_slice %arg6[%add3A_294, %dma_start3A_504] : memref<10240x128xf32, #tpu.memory_space<vmem_shared>> -> memref<128x128xf32, #tpu.memory_space<vmem_shared>>
      tpu.enqueue_dma source(%dma_start3A_505 : memref<128x128xf32, #tpu.memory_space<vmem_shared>>) target(%dma_start3A_503 : memref<128x128xf32, #tpu.memory_space<vmem>>) target_semaphore(%run_scoped3A_493 : memref<!tpu.dma_semaphore, #tpu.memory_space<semaphore_mem>>)
      %dma_wait3A_506 = arith.constant 0 : i32
      %dma_wait3A_507 = arith.constant 0 : i32
      %dma_wait3A_508 = tpu.memref_slice %arg7[%run_scoped3A_295, %dma_wait3A_506, %dma_wait3A_507] : memref<2x128x128xf32, #tpu.memory_space<vmem>> -> memref<1x128x128xf32, #tpu.memory_space<vmem>>
      %dma_wait3A_509 = tpu.memref_squeeze %dma_wait3A_508 : memref<1x128x128xf32, #tpu.memory_space<vmem>> -> memref<128x128xf32, #tpu.memory_space<vmem>>
      %dma_wait3A_510 = arith.constant 0 : i32
      %dma_wait3A_511 = tpu.memref_slice %arg6[%add3A_294, %dma_wait3A_510] : memref<10240x128xf32, #tpu.memory_space<vmem_shared>> -> memref<128x128xf32, #tpu.memory_space<vmem_shared>>
      %dma_wait3A_512 = arith.constant 0 : i32
      %dma_wait3A_513 = arith.constant 0 : i32
      %dma_wait3A_514 = tpu.memref_slice %arg7[%run_scoped3A_295, %dma_wait3A_512, %dma_wait3A_513] : memref<2x128x128xf32, #tpu.memory_space<vmem>> -> memref<1x128x128xf32, #tpu.memory_space<vmem>>
      %dma_wait3A_515 = tpu.memref_squeeze %dma_wait3A_514 : memref<1x128x128xf32, #tpu.memory_space<vmem>> -> memref<128x128xf32, #tpu.memory_space<vmem>>
      %dma_wait3A_516 = arith.constant 0 : i32
      %dma_wait3A_517 = tpu.memref_slice %arg6[%add3A_294, %dma_wait3A_516] : memref<10240x128xf32, #tpu.memory_space<vmem_shared>> -> memref<128x128xf32, #tpu.memory_space<vmem_shared>>
      tpu.wait_dma2 semaphore(%run_scoped3A_493 : memref<!tpu.dma_semaphore, #tpu.memory_space<semaphore_mem>>) src(%dma_wait3A_517 : memref<128x128xf32, #tpu.memory_space<vmem_shared>>) dst(%dma_wait3A_515 : memref<128x128xf32, #tpu.memory_space<vmem>>)
      tpu.yield
    }) : () -> ()
    %dma_start3A_296 = arith.constant 1 : i32
    %dma_start3A_297 = arith.constant 1 : i32
    %dma_start3A_298 = arith.constant 0 : i32
    %dma_start3A_299 = arith.constant 0 : i32
    %dma_start3A_300 = tpu.memref_slice %arg7[%dma_start3A_296, %dma_start3A_298, %dma_start3A_299] : memref<2x128x128xf32, #tpu.memory_space<vmem>> -> memref<1x128x128xf32, #tpu.memory_space<vmem>>
    %dma_start3A_301 = tpu.memref_squeeze %dma_start3A_300 : memref<1x128x128xf32, #tpu.memory_space<vmem>> -> memref<128x128xf32, #tpu.memory_space<vmem>>
    %dma_start3A_302 = arith.constant 0 : i32
    %dma_start3A_303 = tpu.memref_slice %arg5[%arg0, %add3A_294, %dma_start3A_302] : memref<2x10240x128xf32, #tpu.memory_space<hbm>> -> memref<1x128x128xf32, #tpu.memory_space<hbm>>
    %dma_start3A_304 = tpu.memref_squeeze %dma_start3A_303 : memref<1x128x128xf32, #tpu.memory_space<hbm>> -> memref<128x128xf32, #tpu.memory_space<hbm>>
    %dma_start3A_305 = tpu.memref_slice %arg9[%dma_start3A_297] : memref<2x!tpu.dma_semaphore, #tpu.memory_space<semaphore_mem>> -> memref<1x!tpu.dma_semaphore, #tpu.memory_space<semaphore_mem>>
    %dma_start3A_306 = tpu.memref_squeeze %dma_start3A_305 : memref<1x!tpu.dma_semaphore, #tpu.memory_space<semaphore_mem>> -> memref<!tpu.dma_semaphore, #tpu.memory_space<semaphore_mem>>
    %dma_start3A_307 = arith.constant 0 : i32
    %dma_start3A_308 = tpu.memref_slice %arg5[%arg0, %add3A_294, %dma_start3A_307] : memref<2x10240x128xf32, #tpu.memory_space<hbm>> -> memref<1x128x128xf32, #tpu.memory_space<hbm>>
    %dma_start3A_309 = tpu.memref_squeeze %dma_start3A_308 : memref<1x128x128xf32, #tpu.memory_space<hbm>> -> memref<128x128xf32, #tpu.memory_space<hbm>>
    %dma_start3A_310 = arith.constant 0 : i32
    %dma_start3A_311 = arith.constant 0 : i32
    %dma_start3A_312 = tpu.memref_slice %arg7[%dma_start3A_296, %dma_start3A_310, %dma_start3A_311] : memref<2x128x128xf32, #tpu.memory_space<vmem>> -> memref<1x128x128xf32, #tpu.memory_space<vmem>>
    %dma_start3A_313 = tpu.memref_squeeze %dma_start3A_312 : memref<1x128x128xf32, #tpu.memory_space<vmem>> -> memref<128x128xf32, #tpu.memory_space<vmem>>
    tpu.enqueue_dma source(%dma_start3A_313 : memref<128x128xf32, #tpu.memory_space<vmem>>) target(%dma_start3A_309 : memref<128x128xf32, #tpu.memory_space<hbm>>) target_semaphore(%dma_start3A_306 : memref<!tpu.dma_semaphore, #tpu.memory_space<semaphore_mem>>)
    %mul3A_314 = arith.constant 640 : i32
    %mul3A_315 = arith.muli %arg1, %mul3A_314 : i32
    %add3A_316 = arith.constant 256 : i32
    %add3A_317 = arith.addi %mul3A_315, %add3A_316 : i32
    %mul3A_318 = arith.constant 640 : i32
    %mul3A_319 = arith.muli %arg1, %mul3A_318 : i32
    %add3A_320 = arith.constant 0 : i32
    %add3A_321 = arith.addi %mul3A_319, %add3A_320 : i32
    %dma_wait3A_322 = arith.constant 0 : i32
    %dma_wait3A_323 = arith.constant 0 : i32
    %dma_wait3A_324 = arith.constant 0 : i32
    %dma_wait3A_325 = arith.constant 0 : i32
    %dma_wait3A_326 = tpu.memref_slice %arg7[%dma_wait3A_322, %dma_wait3A_324, %dma_wait3A_325] : memref<2x128x128xf32, #tpu.memory_space<vmem>> -> memref<1x128x128xf32, #tpu.memory_space<vmem>>
    %dma_wait3A_327 = tpu.memref_squeeze %dma_wait3A_326 : memref<1x128x128xf32, #tpu.memory_space<vmem>> -> memref<128x128xf32, #tpu.memory_space<vmem>>
    %dma_wait3A_328 = arith.constant 0 : i32
    %dma_wait3A_329 = tpu.memref_slice %arg5[%arg0, %add3A_321, %dma_wait3A_328] : memref<2x10240x128xf32, #tpu.memory_space<hbm>> -> memref<1x128x128xf32, #tpu.memory_space<hbm>>
    %dma_wait3A_330 = tpu.memref_squeeze %dma_wait3A_329 : memref<1x128x128xf32, #tpu.memory_space<hbm>> -> memref<128x128xf32, #tpu.memory_space<hbm>>
    %dma_wait3A_331 = tpu.memref_slice %arg9[%dma_wait3A_323] : memref<2x!tpu.dma_semaphore, #tpu.memory_space<semaphore_mem>> -> memref<1x!tpu.dma_semaphore, #tpu.memory_space<semaphore_mem>>
    %dma_wait3A_332 = tpu.memref_squeeze %dma_wait3A_331 : memref<1x!tpu.dma_semaphore, #tpu.memory_space<semaphore_mem>> -> memref<!tpu.dma_semaphore, #tpu.memory_space<semaphore_mem>>
    %dma_wait3A_333 = arith.constant 0 : i32
    %dma_wait3A_334 = tpu.memref_slice %arg5[%arg0, %add3A_321, %dma_wait3A_333] : memref<2x10240x128xf32, #tpu.memory_space<hbm>> -> memref<1x128x128xf32, #tpu.memory_space<hbm>>
    %dma_wait3A_335 = tpu.memref_squeeze %dma_wait3A_334 : memref<1x128x128xf32, #tpu.memory_space<hbm>> -> memref<128x128xf32, #tpu.memory_space<hbm>>
    %dma_wait3A_336 = arith.constant 0 : i32
    %dma_wait3A_337 = arith.constant 0 : i32
    %dma_wait3A_338 = tpu.memref_slice %arg7[%dma_wait3A_322, %dma_wait3A_336, %dma_wait3A_337] : memref<2x128x128xf32, #tpu.memory_space<vmem>> -> memref<1x128x128xf32, #tpu.memory_space<vmem>>
    %dma_wait3A_339 = tpu.memref_squeeze %dma_wait3A_338 : memref<1x128x128xf32, #tpu.memory_space<vmem>> -> memref<128x128xf32, #tpu.memory_space<vmem>>
    tpu.wait_dma2 semaphore(%dma_wait3A_332 : memref<!tpu.dma_semaphore, #tpu.memory_space<semaphore_mem>>) src(%dma_wait3A_339 : memref<128x128xf32, #tpu.memory_space<vmem>>) dst(%dma_wait3A_335 : memref<128x128xf32, #tpu.memory_space<hbm>>)
    %run_scoped3A_340 = arith.constant 0 : i32
    "tpu.region"() ({
      %run_scoped3A_493 = tpu.sem_alloc : memref<!tpu.dma_semaphore, #tpu.memory_space<semaphore_mem>>
      %dma_start3A_494 = arith.constant 0 : i32
      %dma_start3A_495 = arith.constant 0 : i32
      %dma_start3A_496 = tpu.memref_slice %arg7[%run_scoped3A_340, %dma_start3A_494, %dma_start3A_495] : memref<2x128x128xf32, #tpu.memory_space<vmem>> -> memref<1x128x128xf32, #tpu.memory_space<vmem>>
      %dma_start3A_497 = tpu.memref_squeeze %dma_start3A_496 : memref<1x128x128xf32, #tpu.memory_space<vmem>> -> memref<128x128xf32, #tpu.memory_space<vmem>>
      %dma_start3A_498 = arith.constant 0 : i32
      %dma_start3A_499 = tpu.memref_slice %arg6[%add3A_317, %dma_start3A_498] : memref<10240x128xf32, #tpu.memory_space<vmem_shared>> -> memref<128x128xf32, #tpu.memory_space<vmem_shared>>
      %dma_start3A_500 = arith.constant 0 : i32
      %dma_start3A_501 = arith.constant 0 : i32
      %dma_start3A_502 = tpu.memref_slice %arg7[%run_scoped3A_340, %dma_start3A_500, %dma_start3A_501] : memref<2x128x128xf32, #tpu.memory_space<vmem>> -> memref<1x128x128xf32, #tpu.memory_space<vmem>>
      %dma_start3A_503 = tpu.memref_squeeze %dma_start3A_502 : memref<1x128x128xf32, #tpu.memory_space<vmem>> -> memref<128x128xf32, #tpu.memory_space<vmem>>
      %dma_start3A_504 = arith.constant 0 : i32
      %dma_start3A_505 = tpu.memref_slice %arg6[%add3A_317, %dma_start3A_504] : memref<10240x128xf32, #tpu.memory_space<vmem_shared>> -> memref<128x128xf32, #tpu.memory_space<vmem_shared>>
      tpu.enqueue_dma source(%dma_start3A_505 : memref<128x128xf32, #tpu.memory_space<vmem_shared>>) target(%dma_start3A_503 : memref<128x128xf32, #tpu.memory_space<vmem>>) target_semaphore(%run_scoped3A_493 : memref<!tpu.dma_semaphore, #tpu.memory_space<semaphore_mem>>)
      %dma_wait3A_506 = arith.constant 0 : i32
      %dma_wait3A_507 = arith.constant 0 : i32
      %dma_wait3A_508 = tpu.memref_slice %arg7[%run_scoped3A_340, %dma_wait3A_506, %dma_wait3A_507] : memref<2x128x128xf32, #tpu.memory_space<vmem>> -> memref<1x128x128xf32, #tpu.memory_space<vmem>>
      %dma_wait3A_509 = tpu.memref_squeeze %dma_wait3A_508 : memref<1x128x128xf32, #tpu.memory_space<vmem>> -> memref<128x128xf32, #tpu.memory_space<vmem>>
      %dma_wait3A_510 = arith.constant 0 : i32
      %dma_wait3A_511 = tpu.memref_slice %arg6[%add3A_317, %dma_wait3A_510] : memref<10240x128xf32, #tpu.memory_space<vmem_shared>> -> memref<128x128xf32, #tpu.memory_space<vmem_shared>>
      %dma_wait3A_512 = arith.constant 0 : i32
      %dma_wait3A_513 = arith.constant 0 : i32
      %dma_wait3A_514 = tpu.memref_slice %arg7[%run_scoped3A_340, %dma_wait3A_512, %dma_wait3A_513] : memref<2x128x128xf32, #tpu.memory_space<vmem>> -> memref<1x128x128xf32, #tpu.memory_space<vmem>>
      %dma_wait3A_515 = tpu.memref_squeeze %dma_wait3A_514 : memref<1x128x128xf32, #tpu.memory_space<vmem>> -> memref<128x128xf32, #tpu.memory_space<vmem>>
      %dma_wait3A_516 = arith.constant 0 : i32
      %dma_wait3A_517 = tpu.memref_slice %arg6[%add3A_317, %dma_wait3A_516] : memref<10240x128xf32, #tpu.memory_space<vmem_shared>> -> memref<128x128xf32, #tpu.memory_space<vmem_shared>>
      tpu.wait_dma2 semaphore(%run_scoped3A_493 : memref<!tpu.dma_semaphore, #tpu.memory_space<semaphore_mem>>) src(%dma_wait3A_517 : memref<128x128xf32, #tpu.memory_space<vmem_shared>>) dst(%dma_wait3A_515 : memref<128x128xf32, #tpu.memory_space<vmem>>)
      tpu.yield
    }) : () -> ()
    %dma_start3A_341 = arith.constant 0 : i32
    %dma_start3A_342 = arith.constant 0 : i32
    %dma_start3A_343 = arith.constant 0 : i32
    %dma_start3A_344 = arith.constant 0 : i32
    %dma_start3A_345 = tpu.memref_slice %arg7[%dma_start3A_341, %dma_start3A_343, %dma_start3A_344] : memref<2x128x128xf32, #tpu.memory_space<vmem>> -> memref<1x128x128xf32, #tpu.memory_space<vmem>>
    %dma_start3A_346 = tpu.memref_squeeze %dma_start3A_345 : memref<1x128x128xf32, #tpu.memory_space<vmem>> -> memref<128x128xf32, #tpu.memory_space<vmem>>
    %dma_start3A_347 = arith.constant 0 : i32
    %dma_start3A_348 = tpu.memref_slice %arg5[%arg0, %add3A_317, %dma_start3A_347] : memref<2x10240x128xf32, #tpu.memory_space<hbm>> -> memref<1x128x128xf32, #tpu.memory_space<hbm>>
    %dma_start3A_349 = tpu.memref_squeeze %dma_start3A_348 : memref<1x128x128xf32, #tpu.memory_space<hbm>> -> memref<128x128xf32, #tpu.memory_space<hbm>>
    %dma_start3A_350 = tpu.memref_slice %arg9[%dma_start3A_342] : memref<2x!tpu.dma_semaphore, #tpu.memory_space<semaphore_mem>> -> memref<1x!tpu.dma_semaphore, #tpu.memory_space<semaphore_mem>>
    %dma_start3A_351 = tpu.memref_squeeze %dma_start3A_350 : memref<1x!tpu.dma_semaphore, #tpu.memory_space<semaphore_mem>> -> memref<!tpu.dma_semaphore, #tpu.memory_space<semaphore_mem>>
    %dma_start3A_352 = arith.constant 0 : i32
    %dma_start3A_353 = tpu.memref_slice %arg5[%arg0, %add3A_317, %dma_start3A_352] : memref<2x10240x128xf32, #tpu.memory_space<hbm>> -> memref<1x128x128xf32, #tpu.memory_space<hbm>>
    %dma_start3A_354 = tpu.memref_squeeze %dma_start3A_353 : memref<1x128x128xf32, #tpu.memory_space<hbm>> -> memref<128x128xf32, #tpu.memory_space<hbm>>
    %dma_start3A_355 = arith.constant 0 : i32
    %dma_start3A_356 = arith.constant 0 : i32
    %dma_start3A_357 = tpu.memref_slice %arg7[%dma_start3A_341, %dma_start3A_355, %dma_start3A_356] : memref<2x128x128xf32, #tpu.memory_space<vmem>> -> memref<1x128x128xf32, #tpu.memory_space<vmem>>
    %dma_start3A_358 = tpu.memref_squeeze %dma_start3A_357 : memref<1x128x128xf32, #tpu.memory_space<vmem>> -> memref<128x128xf32, #tpu.memory_space<vmem>>
    tpu.enqueue_dma source(%dma_start3A_358 : memref<128x128xf32, #tpu.memory_space<vmem>>) target(%dma_start3A_354 : memref<128x128xf32, #tpu.memory_space<hbm>>) target_semaphore(%dma_start3A_351 : memref<!tpu.dma_semaphore, #tpu.memory_space<semaphore_mem>>)
    %mul3A_359 = arith.constant 640 : i32
    %mul3A_360 = arith.muli %arg1, %mul3A_359 : i32
    %add3A_361 = arith.constant 384 : i32
    %add3A_362 = arith.addi %mul3A_360, %add3A_361 : i32
    %mul3A_363 = arith.constant 640 : i32
    %mul3A_364 = arith.muli %arg1, %mul3A_363 : i32
    %add3A_365 = arith.constant 128 : i32
    %add3A_366 = arith.addi %mul3A_364, %add3A_365 : i32
    %dma_wait3A_367 = arith.constant 1 : i32
    %dma_wait3A_368 = arith.constant 1 : i32
    %dma_wait3A_369 = arith.constant 0 : i32
    %dma_wait3A_370 = arith.constant 0 : i32
    %dma_wait3A_371 = tpu.memref_slice %arg7[%dma_wait3A_367, %dma_wait3A_369, %dma_wait3A_370] : memref<2x128x128xf32, #tpu.memory_space<vmem>> -> memref<1x128x128xf32, #tpu.memory_space<vmem>>
    %dma_wait3A_372 = tpu.memref_squeeze %dma_wait3A_371 : memref<1x128x128xf32, #tpu.memory_space<vmem>> -> memref<128x128xf32, #tpu.memory_space<vmem>>
    %dma_wait3A_373 = arith.constant 0 : i32
    %dma_wait3A_374 = tpu.memref_slice %arg5[%arg0, %add3A_366, %dma_wait3A_373] : memref<2x10240x128xf32, #tpu.memory_space<hbm>> -> memref<1x128x128xf32, #tpu.memory_space<hbm>>
    %dma_wait3A_375 = tpu.memref_squeeze %dma_wait3A_374 : memref<1x128x128xf32, #tpu.memory_space<hbm>> -> memref<128x128xf32, #tpu.memory_space<hbm>>
    %dma_wait3A_376 = tpu.memref_slice %arg9[%dma_wait3A_368] : memref<2x!tpu.dma_semaphore, #tpu.memory_space<semaphore_mem>> -> memref<1x!tpu.dma_semaphore, #tpu.memory_space<semaphore_mem>>
    %dma_wait3A_377 = tpu.memref_squeeze %dma_wait3A_376 : memref<1x!tpu.dma_semaphore, #tpu.memory_space<semaphore_mem>> -> memref<!tpu.dma_semaphore, #tpu.memory_space<semaphore_mem>>
    %dma_wait3A_378 = arith.constant 0 : i32
    %dma_wait3A_379 = tpu.memref_slice %arg5[%arg0, %add3A_366, %dma_wait3A_378] : memref<2x10240x128xf32, #tpu.memory_space<hbm>> -> memref<1x128x128xf32, #tpu.memory_space<hbm>>
    %dma_wait3A_380 = tpu.memref_squeeze %dma_wait3A_379 : memref<1x128x128xf32, #tpu.memory_space<hbm>> -> memref<128x128xf32, #tpu.memory_space<hbm>>
    %dma_wait3A_381 = arith.constant 0 : i32
    %dma_wait3A_382 = arith.constant 0 : i32
    %dma_wait3A_383 = tpu.memref_slice %arg7[%dma_wait3A_367, %dma_wait3A_381, %dma_wait3A_382] : memref<2x128x128xf32, #tpu.memory_space<vmem>> -> memref<1x128x128xf32, #tpu.memory_space<vmem>>
    %dma_wait3A_384 = tpu.memref_squeeze %dma_wait3A_383 : memref<1x128x128xf32, #tpu.memory_space<vmem>> -> memref<128x128xf32, #tpu.memory_space<vmem>>
    tpu.wait_dma2 semaphore(%dma_wait3A_377 : memref<!tpu.dma_semaphore, #tpu.memory_space<semaphore_mem>>) src(%dma_wait3A_384 : memref<128x128xf32, #tpu.memory_space<vmem>>) dst(%dma_wait3A_380 : memref<128x128xf32, #tpu.memory_space<hbm>>)
    %run_scoped3A_385 = arith.constant 1 : i32
    "tpu.region"() ({
      %run_scoped3A_493 = tpu.sem_alloc : memref<!tpu.dma_semaphore, #tpu.memory_space<semaphore_mem>>
      %dma_start3A_494 = arith.constant 0 : i32
      %dma_start3A_495 = arith.constant 0 : i32
      %dma_start3A_496 = tpu.memref_slice %arg7[%run_scoped3A_385, %dma_start3A_494, %dma_start3A_495] : memref<2x128x128xf32, #tpu.memory_space<vmem>> -> memref<1x128x128xf32, #tpu.memory_space<vmem>>
      %dma_start3A_497 = tpu.memref_squeeze %dma_start3A_496 : memref<1x128x128xf32, #tpu.memory_space<vmem>> -> memref<128x128xf32, #tpu.memory_space<vmem>>
      %dma_start3A_498 = arith.constant 0 : i32
      %dma_start3A_499 = tpu.memref_slice %arg6[%add3A_362, %dma_start3A_498] : memref<10240x128xf32, #tpu.memory_space<vmem_shared>> -> memref<128x128xf32, #tpu.memory_space<vmem_shared>>
      %dma_start3A_500 = arith.constant 0 : i32
      %dma_start3A_501 = arith.constant 0 : i32
      %dma_start3A_502 = tpu.memref_slice %arg7[%run_scoped3A_385, %dma_start3A_500, %dma_start3A_501] : memref<2x128x128xf32, #tpu.memory_space<vmem>> -> memref<1x128x128xf32, #tpu.memory_space<vmem>>
      %dma_start3A_503 = tpu.memref_squeeze %dma_start3A_502 : memref<1x128x128xf32, #tpu.memory_space<vmem>> -> memref<128x128xf32, #tpu.memory_space<vmem>>
      %dma_start3A_504 = arith.constant 0 : i32
      %dma_start3A_505 = tpu.memref_slice %arg6[%add3A_362, %dma_start3A_504] : memref<10240x128xf32, #tpu.memory_space<vmem_shared>> -> memref<128x128xf32, #tpu.memory_space<vmem_shared>>
      tpu.enqueue_dma source(%dma_start3A_505 : memref<128x128xf32, #tpu.memory_space<vmem_shared>>) target(%dma_start3A_503 : memref<128x128xf32, #tpu.memory_space<vmem>>) target_semaphore(%run_scoped3A_493 : memref<!tpu.dma_semaphore, #tpu.memory_space<semaphore_mem>>)
      %dma_wait3A_506 = arith.constant 0 : i32
      %dma_wait3A_507 = arith.constant 0 : i32
      %dma_wait3A_508 = tpu.memref_slice %arg7[%run_scoped3A_385, %dma_wait3A_506, %dma_wait3A_507] : memref<2x128x128xf32, #tpu.memory_space<vmem>> -> memref<1x128x128xf32, #tpu.memory_space<vmem>>
      %dma_wait3A_509 = tpu.memref_squeeze %dma_wait3A_508 : memref<1x128x128xf32, #tpu.memory_space<vmem>> -> memref<128x128xf32, #tpu.memory_space<vmem>>
      %dma_wait3A_510 = arith.constant 0 : i32
      %dma_wait3A_511 = tpu.memref_slice %arg6[%add3A_362, %dma_wait3A_510] : memref<10240x128xf32, #tpu.memory_space<vmem_shared>> -> memref<128x128xf32, #tpu.memory_space<vmem_shared>>
      %dma_wait3A_512 = arith.constant 0 : i32
      %dma_wait3A_513 = arith.constant 0 : i32
      %dma_wait3A_514 = tpu.memref_slice %arg7[%run_scoped3A_385, %dma_wait3A_512, %dma_wait3A_513] : memref<2x128x128xf32, #tpu.memory_space<vmem>> -> memref<1x128x128xf32, #tpu.memory_space<vmem>>
      %dma_wait3A_515 = tpu.memref_squeeze %dma_wait3A_514 : memref<1x128x128xf32, #tpu.memory_space<vmem>> -> memref<128x128xf32, #tpu.memory_space<vmem>>
      %dma_wait3A_516 = arith.constant 0 : i32
      %dma_wait3A_517 = tpu.memref_slice %arg6[%add3A_362, %dma_wait3A_516] : memref<10240x128xf32, #tpu.memory_space<vmem_shared>> -> memref<128x128xf32, #tpu.memory_space<vmem_shared>>
      tpu.wait_dma2 semaphore(%run_scoped3A_493 : memref<!tpu.dma_semaphore, #tpu.memory_space<semaphore_mem>>) src(%dma_wait3A_517 : memref<128x128xf32, #tpu.memory_space<vmem_shared>>) dst(%dma_wait3A_515 : memref<128x128xf32, #tpu.memory_space<vmem>>)
      tpu.yield
    }) : () -> ()
    %dma_start3A_386 = arith.constant 1 : i32
    %dma_start3A_387 = arith.constant 1 : i32
    %dma_start3A_388 = arith.constant 0 : i32
    %dma_start3A_389 = arith.constant 0 : i32
    %dma_start3A_390 = tpu.memref_slice %arg7[%dma_start3A_386, %dma_start3A_388, %dma_start3A_389] : memref<2x128x128xf32, #tpu.memory_space<vmem>> -> memref<1x128x128xf32, #tpu.memory_space<vmem>>
    %dma_start3A_391 = tpu.memref_squeeze %dma_start3A_390 : memref<1x128x128xf32, #tpu.memory_space<vmem>> -> memref<128x128xf32, #tpu.memory_space<vmem>>
    %dma_start3A_392 = arith.constant 0 : i32
    %dma_start3A_393 = tpu.memref_slice %arg5[%arg0, %add3A_362, %dma_start3A_392] : memref<2x10240x128xf32, #tpu.memory_space<hbm>> -> memref<1x128x128xf32, #tpu.memory_space<hbm>>
    %dma_start3A_394 = tpu.memref_squeeze %dma_start3A_393 : memref<1x128x128xf32, #tpu.memory_space<hbm>> -> memref<128x128xf32, #tpu.memory_space<hbm>>
    %dma_start3A_395 = tpu.memref_slice %arg9[%dma_start3A_387] : memref<2x!tpu.dma_semaphore, #tpu.memory_space<semaphore_mem>> -> memref<1x!tpu.dma_semaphore, #tpu.memory_space<semaphore_mem>>
    %dma_start3A_396 = tpu.memref_squeeze %dma_start3A_395 : memref<1x!tpu.dma_semaphore, #tpu.memory_space<semaphore_mem>> -> memref<!tpu.dma_semaphore, #tpu.memory_space<semaphore_mem>>
    %dma_start3A_397 = arith.constant 0 : i32
    %dma_start3A_398 = tpu.memref_slice %arg5[%arg0, %add3A_362, %dma_start3A_397] : memref<2x10240x128xf32, #tpu.memory_space<hbm>> -> memref<1x128x128xf32, #tpu.memory_space<hbm>>
    %dma_start3A_399 = tpu.memref_squeeze %dma_start3A_398 : memref<1x128x128xf32, #tpu.memory_space<hbm>> -> memref<128x128xf32, #tpu.memory_space<hbm>>
    %dma_start3A_400 = arith.constant 0 : i32
    %dma_start3A_401 = arith.constant 0 : i32
    %dma_start3A_402 = tpu.memref_slice %arg7[%dma_start3A_386, %dma_start3A_400, %dma_start3A_401] : memref<2x128x128xf32, #tpu.memory_space<vmem>> -> memref<1x128x128xf32, #tpu.memory_space<vmem>>
    %dma_start3A_403 = tpu.memref_squeeze %dma_start3A_402 : memref<1x128x128xf32, #tpu.memory_space<vmem>> -> memref<128x128xf32, #tpu.memory_space<vmem>>
    tpu.enqueue_dma source(%dma_start3A_403 : memref<128x128xf32, #tpu.memory_space<vmem>>) target(%dma_start3A_399 : memref<128x128xf32, #tpu.memory_space<hbm>>) target_semaphore(%dma_start3A_396 : memref<!tpu.dma_semaphore, #tpu.memory_space<semaphore_mem>>)
    %mul3A_404 = arith.constant 640 : i32
    %mul3A_405 = arith.muli %arg1, %mul3A_404 : i32
    %add3A_406 = arith.constant 512 : i32
    %add3A_407 = arith.addi %mul3A_405, %add3A_406 : i32
    %mul3A_408 = arith.constant 640 : i32
    %mul3A_409 = arith.muli %arg1, %mul3A_408 : i32
    %add3A_410 = arith.constant 256 : i32
    %add3A_411 = arith.addi %mul3A_409, %add3A_410 : i32
    %dma_wait3A_412 = arith.constant 0 : i32
    %dma_wait3A_413 = arith.constant 0 : i32
    %dma_wait3A_414 = arith.constant 0 : i32
    %dma_wait3A_415 = arith.constant 0 : i32
    %dma_wait3A_416 = tpu.memref_slice %arg7[%dma_wait3A_412, %dma_wait3A_414, %dma_wait3A_415] : memref<2x128x128xf32, #tpu.memory_space<vmem>> -> memref<1x128x128xf32, #tpu.memory_space<vmem>>
    %dma_wait3A_417 = tpu.memref_squeeze %dma_wait3A_416 : memref<1x128x128xf32, #tpu.memory_space<vmem>> -> memref<128x128xf32, #tpu.memory_space<vmem>>
    %dma_wait3A_418 = arith.constant 0 : i32
    %dma_wait3A_419 = tpu.memref_slice %arg5[%arg0, %add3A_411, %dma_wait3A_418] : memref<2x10240x128xf32, #tpu.memory_space<hbm>> -> memref<1x128x128xf32, #tpu.memory_space<hbm>>
    %dma_wait3A_420 = tpu.memref_squeeze %dma_wait3A_419 : memref<1x128x128xf32, #tpu.memory_space<hbm>> -> memref<128x128xf32, #tpu.memory_space<hbm>>
    %dma_wait3A_421 = tpu.memref_slice %arg9[%dma_wait3A_413] : memref<2x!tpu.dma_semaphore, #tpu.memory_space<semaphore_mem>> -> memref<1x!tpu.dma_semaphore, #tpu.memory_space<semaphore_mem>>
    %dma_wait3A_422 = tpu.memref_squeeze %dma_wait3A_421 : memref<1x!tpu.dma_semaphore, #tpu.memory_space<semaphore_mem>> -> memref<!tpu.dma_semaphore, #tpu.memory_space<semaphore_mem>>
    %dma_wait3A_423 = arith.constant 0 : i32
    %dma_wait3A_424 = tpu.memref_slice %arg5[%arg0, %add3A_411, %dma_wait3A_423] : memref<2x10240x128xf32, #tpu.memory_space<hbm>> -> memref<1x128x128xf32, #tpu.memory_space<hbm>>
    %dma_wait3A_425 = tpu.memref_squeeze %dma_wait3A_424 : memref<1x128x128xf32, #tpu.memory_space<hbm>> -> memref<128x128xf32, #tpu.memory_space<hbm>>
    %dma_wait3A_426 = arith.constant 0 : i32
    %dma_wait3A_427 = arith.constant 0 : i32
    %dma_wait3A_428 = tpu.memref_slice %arg7[%dma_wait3A_412, %dma_wait3A_426, %dma_wait3A_427] : memref<2x128x128xf32, #tpu.memory_space<vmem>> -> memref<1x128x128xf32, #tpu.memory_space<vmem>>
    %dma_wait3A_429 = tpu.memref_squeeze %dma_wait3A_428 : memref<1x128x128xf32, #tpu.memory_space<vmem>> -> memref<128x128xf32, #tpu.memory_space<vmem>>
    tpu.wait_dma2 semaphore(%dma_wait3A_422 : memref<!tpu.dma_semaphore, #tpu.memory_space<semaphore_mem>>) src(%dma_wait3A_429 : memref<128x128xf32, #tpu.memory_space<vmem>>) dst(%dma_wait3A_425 : memref<128x128xf32, #tpu.memory_space<hbm>>)
    %run_scoped3A_430 = arith.constant 0 : i32
    "tpu.region"() ({
      %run_scoped3A_493 = tpu.sem_alloc : memref<!tpu.dma_semaphore, #tpu.memory_space<semaphore_mem>>
      %dma_start3A_494 = arith.constant 0 : i32
      %dma_start3A_495 = arith.constant 0 : i32
      %dma_start3A_496 = tpu.memref_slice %arg7[%run_scoped3A_430, %dma_start3A_494, %dma_start3A_495] : memref<2x128x128xf32, #tpu.memory_space<vmem>> -> memref<1x128x128xf32, #tpu.memory_space<vmem>>
      %dma_start3A_497 = tpu.memref_squeeze %dma_start3A_496 : memref<1x128x128xf32, #tpu.memory_space<vmem>> -> memref<128x128xf32, #tpu.memory_space<vmem>>
      %dma_start3A_498 = arith.constant 0 : i32
      %dma_start3A_499 = tpu.memref_slice %arg6[%add3A_407, %dma_start3A_498] : memref<10240x128xf32, #tpu.memory_space<vmem_shared>> -> memref<128x128xf32, #tpu.memory_space<vmem_shared>>
      %dma_start3A_500 = arith.constant 0 : i32
      %dma_start3A_501 = arith.constant 0 : i32
      %dma_start3A_502 = tpu.memref_slice %arg7[%run_scoped3A_430, %dma_start3A_500, %dma_start3A_501] : memref<2x128x128xf32, #tpu.memory_space<vmem>> -> memref<1x128x128xf32, #tpu.memory_space<vmem>>
      %dma_start3A_503 = tpu.memref_squeeze %dma_start3A_502 : memref<1x128x128xf32, #tpu.memory_space<vmem>> -> memref<128x128xf32, #tpu.memory_space<vmem>>
      %dma_start3A_504 = arith.constant 0 : i32
      %dma_start3A_505 = tpu.memref_slice %arg6[%add3A_407, %dma_start3A_504] : memref<10240x128xf32, #tpu.memory_space<vmem_shared>> -> memref<128x128xf32, #tpu.memory_space<vmem_shared>>
      tpu.enqueue_dma source(%dma_start3A_505 : memref<128x128xf32, #tpu.memory_space<vmem_shared>>) target(%dma_start3A_503 : memref<128x128xf32, #tpu.memory_space<vmem>>) target_semaphore(%run_scoped3A_493 : memref<!tpu.dma_semaphore, #tpu.memory_space<semaphore_mem>>)
      %dma_wait3A_506 = arith.constant 0 : i32
      %dma_wait3A_507 = arith.constant 0 : i32
      %dma_wait3A_508 = tpu.memref_slice %arg7[%run_scoped3A_430, %dma_wait3A_506, %dma_wait3A_507] : memref<2x128x128xf32, #tpu.memory_space<vmem>> -> memref<1x128x128xf32, #tpu.memory_space<vmem>>
      %dma_wait3A_509 = tpu.memref_squeeze %dma_wait3A_508 : memref<1x128x128xf32, #tpu.memory_space<vmem>> -> memref<128x128xf32, #tpu.memory_space<vmem>>
      %dma_wait3A_510 = arith.constant 0 : i32
      %dma_wait3A_511 = tpu.memref_slice %arg6[%add3A_407, %dma_wait3A_510] : memref<10240x128xf32, #tpu.memory_space<vmem_shared>> -> memref<128x128xf32, #tpu.memory_space<vmem_shared>>
      %dma_wait3A_512 = arith.constant 0 : i32
      %dma_wait3A_513 = arith.constant 0 : i32
      %dma_wait3A_514 = tpu.memref_slice %arg7[%run_scoped3A_430, %dma_wait3A_512, %dma_wait3A_513] : memref<2x128x128xf32, #tpu.memory_space<vmem>> -> memref<1x128x128xf32, #tpu.memory_space<vmem>>
      %dma_wait3A_515 = tpu.memref_squeeze %dma_wait3A_514 : memref<1x128x128xf32, #tpu.memory_space<vmem>> -> memref<128x128xf32, #tpu.memory_space<vmem>>
      %dma_wait3A_516 = arith.constant 0 : i32
      %dma_wait3A_517 = tpu.memref_slice %arg6[%add3A_407, %dma_wait3A_516] : memref<10240x128xf32, #tpu.memory_space<vmem_shared>> -> memref<128x128xf32, #tpu.memory_space<vmem_shared>>
      tpu.wait_dma2 semaphore(%run_scoped3A_493 : memref<!tpu.dma_semaphore, #tpu.memory_space<semaphore_mem>>) src(%dma_wait3A_517 : memref<128x128xf32, #tpu.memory_space<vmem_shared>>) dst(%dma_wait3A_515 : memref<128x128xf32, #tpu.memory_space<vmem>>)
      tpu.yield
    }) : () -> ()
    %dma_start3A_431 = arith.constant 0 : i32
    %dma_start3A_432 = arith.constant 0 : i32
    %dma_start3A_433 = arith.constant 0 : i32
    %dma_start3A_434 = arith.constant 0 : i32
    %dma_start3A_435 = tpu.memref_slice %arg7[%dma_start3A_431, %dma_start3A_433, %dma_start3A_434] : memref<2x128x128xf32, #tpu.memory_space<vmem>> -> memref<1x128x128xf32, #tpu.memory_space<vmem>>
    %dma_start3A_436 = tpu.memref_squeeze %dma_start3A_435 : memref<1x128x128xf32, #tpu.memory_space<vmem>> -> memref<128x128xf32, #tpu.memory_space<vmem>>
    %dma_start3A_437 = arith.constant 0 : i32
    %dma_start3A_438 = tpu.memref_slice %arg5[%arg0, %add3A_407, %dma_start3A_437] : memref<2x10240x128xf32, #tpu.memory_space<hbm>> -> memref<1x128x128xf32, #tpu.memory_space<hbm>>
    %dma_start3A_439 = tpu.memref_squeeze %dma_start3A_438 : memref<1x128x128xf32, #tpu.memory_space<hbm>> -> memref<128x128xf32, #tpu.memory_space<hbm>>
    %dma_start3A_440 = tpu.memref_slice %arg9[%dma_start3A_432] : memref<2x!tpu.dma_semaphore, #tpu.memory_space<semaphore_mem>> -> memref<1x!tpu.dma_semaphore, #tpu.memory_space<semaphore_mem>>
    %dma_start3A_441 = tpu.memref_squeeze %dma_start3A_440 : memref<1x!tpu.dma_semaphore, #tpu.memory_space<semaphore_mem>> -> memref<!tpu.dma_semaphore, #tpu.memory_space<semaphore_mem>>
    %dma_start3A_442 = arith.constant 0 : i32
    %dma_start3A_443 = tpu.memref_slice %arg5[%arg0, %add3A_407, %dma_start3A_442] : memref<2x10240x128xf32, #tpu.memory_space<hbm>> -> memref<1x128x128xf32, #tpu.memory_space<hbm>>
    %dma_start3A_444 = tpu.memref_squeeze %dma_start3A_443 : memref<1x128x128xf32, #tpu.memory_space<hbm>> -> memref<128x128xf32, #tpu.memory_space<hbm>>
    %dma_start3A_445 = arith.constant 0 : i32
    %dma_start3A_446 = arith.constant 0 : i32
    %dma_start3A_447 = tpu.memref_slice %arg7[%dma_start3A_431, %dma_start3A_445, %dma_start3A_446] : memref<2x128x128xf32, #tpu.memory_space<vmem>> -> memref<1x128x128xf32, #tpu.memory_space<vmem>>
    %dma_start3A_448 = tpu.memref_squeeze %dma_start3A_447 : memref<1x128x128xf32, #tpu.memory_space<vmem>> -> memref<128x128xf32, #tpu.memory_space<vmem>>
    tpu.enqueue_dma source(%dma_start3A_448 : memref<128x128xf32, #tpu.memory_space<vmem>>) target(%dma_start3A_444 : memref<128x128xf32, #tpu.memory_space<hbm>>) target_semaphore(%dma_start3A_441 : memref<!tpu.dma_semaphore, #tpu.memory_space<semaphore_mem>>)
    %mul3A_449 = arith.constant 640 : i32
    %mul3A_450 = arith.muli %arg1, %mul3A_449 : i32
    %add3A_451 = arith.constant 384 : i32
    %add3A_452 = arith.addi %mul3A_450, %add3A_451 : i32
    %dma_wait3A_453 = arith.constant 1 : i32
    %dma_wait3A_454 = arith.constant 1 : i32
    %dma_wait3A_455 = arith.constant 0 : i32
    %dma_wait3A_456 = arith.constant 0 : i32
    %dma_wait3A_457 = tpu.memref_slice %arg7[%dma_wait3A_453, %dma_wait3A_455, %dma_wait3A_456] : memref<2x128x128xf32, #tpu.memory_space<vmem>> -> memref<1x128x128xf32, #tpu.memory_space<vmem>>
    %dma_wait3A_458 = tpu.memref_squeeze %dma_wait3A_457 : memref<1x128x128xf32, #tpu.memory_space<vmem>> -> memref<128x128xf32, #tpu.memory_space<vmem>>
    %dma_wait3A_459 = arith.constant 0 : i32
    %dma_wait3A_460 = tpu.memref_slice %arg5[%arg0, %add3A_452, %dma_wait3A_459] : memref<2x10240x128xf32, #tpu.memory_space<hbm>> -> memref<1x128x128xf32, #tpu.memory_space<hbm>>
    %dma_wait3A_461 = tpu.memref_squeeze %dma_wait3A_460 : memref<1x128x128xf32, #tpu.memory_space<hbm>> -> memref<128x128xf32, #tpu.memory_space<hbm>>
    %dma_wait3A_462 = tpu.memref_slice %arg9[%dma_wait3A_454] : memref<2x!tpu.dma_semaphore, #tpu.memory_space<semaphore_mem>> -> memref<1x!tpu.dma_semaphore, #tpu.memory_space<semaphore_mem>>
    %dma_wait3A_463 = tpu.memref_squeeze %dma_wait3A_462 : memref<1x!tpu.dma_semaphore, #tpu.memory_space<semaphore_mem>> -> memref<!tpu.dma_semaphore, #tpu.memory_space<semaphore_mem>>
    %dma_wait3A_464 = arith.constant 0 : i32
    %dma_wait3A_465 = tpu.memref_slice %arg5[%arg0, %add3A_452, %dma_wait3A_464] : memref<2x10240x128xf32, #tpu.memory_space<hbm>> -> memref<1x128x128xf32, #tpu.memory_space<hbm>>
    %dma_wait3A_466 = tpu.memref_squeeze %dma_wait3A_465 : memref<1x128x128xf32, #tpu.memory_space<hbm>> -> memref<128x128xf32, #tpu.memory_space<hbm>>
    %dma_wait3A_467 = arith.constant 0 : i32
    %dma_wait3A_468 = arith.constant 0 : i32
    %dma_wait3A_469 = tpu.memref_slice %arg7[%dma_wait3A_453, %dma_wait3A_467, %dma_wait3A_468] : memref<2x128x128xf32, #tpu.memory_space<vmem>> -> memref<1x128x128xf32, #tpu.memory_space<vmem>>
    %dma_wait3A_470 = tpu.memref_squeeze %dma_wait3A_469 : memref<1x128x128xf32, #tpu.memory_space<vmem>> -> memref<128x128xf32, #tpu.memory_space<vmem>>
    tpu.wait_dma2 semaphore(%dma_wait3A_463 : memref<!tpu.dma_semaphore, #tpu.memory_space<semaphore_mem>>) src(%dma_wait3A_470 : memref<128x128xf32, #tpu.memory_space<vmem>>) dst(%dma_wait3A_466 : memref<128x128xf32, #tpu.memory_space<hbm>>)
    %mul3A_471 = arith.constant 640 : i32
    %mul3A_472 = arith.muli %arg1, %mul3A_471 : i32
    %add3A_473 = arith.constant 512 : i32
    %add3A_474 = arith.addi %mul3A_472, %add3A_473 : i32
    %dma_wait3A_475 = arith.constant 0 : i32
    %dma_wait3A_476 = arith.constant 0 : i32
    %dma_wait3A_477 = arith.constant 0 : i32
    %dma_wait3A_478 = arith.constant 0 : i32
    %dma_wait3A_479 = tpu.memref_slice %arg7[%dma_wait3A_475, %dma_wait3A_477, %dma_wait3A_478] : memref<2x128x128xf32, #tpu.memory_space<vmem>> -> memref<1x128x128xf32, #tpu.memory_space<vmem>>
    %dma_wait3A_480 = tpu.memref_squeeze %dma_wait3A_479 : memref<1x128x128xf32, #tpu.memory_space<vmem>> -> memref<128x128xf32, #tpu.memory_space<vmem>>
    %dma_wait3A_481 = arith.constant 0 : i32
    %dma_wait3A_482 = tpu.memref_slice %arg5[%arg0, %add3A_474, %dma_wait3A_481] : memref<2x10240x128xf32, #tpu.memory_space<hbm>> -> memref<1x128x128xf32, #tpu.memory_space<hbm>>
    %dma_wait3A_483 = tpu.memref_squeeze %dma_wait3A_482 : memref<1x128x128xf32, #tpu.memory_space<hbm>> -> memref<128x128xf32, #tpu.memory_space<hbm>>
    %dma_wait3A_484 = tpu.memref_slice %arg9[%dma_wait3A_476] : memref<2x!tpu.dma_semaphore, #tpu.memory_space<semaphore_mem>> -> memref<1x!tpu.dma_semaphore, #tpu.memory_space<semaphore_mem>>
    %dma_wait3A_485 = tpu.memref_squeeze %dma_wait3A_484 : memref<1x!tpu.dma_semaphore, #tpu.memory_space<semaphore_mem>> -> memref<!tpu.dma_semaphore, #tpu.memory_space<semaphore_mem>>
    %dma_wait3A_486 = arith.constant 0 : i32
    %dma_wait3A_487 = tpu.memref_slice %arg5[%arg0, %add3A_474, %dma_wait3A_486] : memref<2x10240x128xf32, #tpu.memory_space<hbm>> -> memref<1x128x128xf32, #tpu.memory_space<hbm>>
    %dma_wait3A_488 = tpu.memref_squeeze %dma_wait3A_487 : memref<1x128x128xf32, #tpu.memory_space<hbm>> -> memref<128x128xf32, #tpu.memory_space<hbm>>
    %dma_wait3A_489 = arith.constant 0 : i32
    %dma_wait3A_490 = arith.constant 0 : i32
    %dma_wait3A_491 = tpu.memref_slice %arg7[%dma_wait3A_475, %dma_wait3A_489, %dma_wait3A_490] : memref<2x128x128xf32, #tpu.memory_space<vmem>> -> memref<1x128x128xf32, #tpu.memory_space<vmem>>
    %dma_wait3A_492 = tpu.memref_squeeze %dma_wait3A_491 : memref<1x128x128xf32, #tpu.memory_space<vmem>> -> memref<128x128xf32, #tpu.memory_space<vmem>>
    tpu.wait_dma2 semaphore(%dma_wait3A_485 : memref<!tpu.dma_semaphore, #tpu.memory_space<semaphore_mem>>) src(%dma_wait3A_492 : memref<128x128xf32, #tpu.memory_space<vmem>>) dst(%dma_wait3A_488 : memref<128x128xf32, #tpu.memory_space<hbm>>)
    return
  }
}

module attributes {stable_mosaic.version = 14 : i64} {
  func.func @_mlp_body(%arg0: i32, %arg1: memref<2000x128xf32, #tpu.memory_space<vmem>>, %arg2: memref<2x2000x128xf32, #tpu.memory_space<vmem>>, %arg3: memref<128x256xf32, #tpu.memory_space<vmem>>, %arg4: memref<1x128xf32, #tpu.memory_space<vmem>>, %arg5: memref<128x128xf32, #tpu.memory_space<vmem>>, %arg6: memref<1x128xf32, #tpu.memory_space<vmem>>, %arg7: memref<2000x128xf32, #tpu.memory_space<vmem>>) attributes {dimension_semantics = [#tpu.dimension_semantics<arbitrary>], iteration_bounds = array<i64: 5>, scalar_prefetch = 0 : i64, scratch_operands = 0 : i64, tpu.core_type = #tpu.core_type<tc>, window_params = [{transform_indices = @transform_0, window_bounds = array<i64: 2000, 128>}, {transform_indices = @transform_1, window_bounds = array<i64: 2, 2000, 128>}, {pipeline_mode = #tpu.pipeline_mode<synchronous>, transform_indices = @transform_2, window_bounds = array<i64: 128, 256>}, {pipeline_mode = #tpu.pipeline_mode<synchronous>, transform_indices = @transform_3, window_bounds = array<i64: 1, 128>}, {pipeline_mode = #tpu.pipeline_mode<synchronous>, transform_indices = @transform_4, window_bounds = array<i64: 128, 128>}, {pipeline_mode = #tpu.pipeline_mode<synchronous>, transform_indices = @transform_5, window_bounds = array<i64: 1, 128>}, {transform_indices = @transform_6, window_bounds = array<i64: 2000, 128>}]} {
    %get3A = arith.constant 0 : index
    %get3A_0 = arith.constant 0 : index
    %get3A_1 = arith.constant 0 : index
    %get3A_2 = vector.load %arg2[%get3A, %get3A_0, %get3A_1] : memref<2x2000x128xf32, #tpu.memory_space<vmem>>, vector<1x2000x128xf32>
    %get3A_3 = vector.shape_cast %get3A_2 : vector<1x2000x128xf32> to vector<2000x128xf32>
    %get3A_4 = arith.constant 1 : index
    %get3A_5 = arith.constant 0 : index
    %get3A_6 = arith.constant 0 : index
    %get3A_7 = vector.load %arg2[%get3A_4, %get3A_5, %get3A_6] : memref<2x2000x128xf32, #tpu.memory_space<vmem>>, vector<1x2000x128xf32>
    %get3A_8 = vector.shape_cast %get3A_7 : vector<1x2000x128xf32> to vector<2000x128xf32>
    %add3A = arith.addf %get3A_3, %get3A_8 : vector<2000x128xf32>
    %get3A_9 = arith.constant 0 : index
    %get3A_10 = arith.constant 0 : index
    %get3A_11 = vector.load %arg1[%get3A_9, %get3A_10] : memref<2000x128xf32, #tpu.memory_space<vmem>>, vector<2000x128xf32>
    %get3A_12 = arith.constant 0 : index
    %get3A_13 = arith.constant 0 : index
    %get3A_14 = vector.load %arg3[%get3A_12, %get3A_13] : memref<128x256xf32, #tpu.memory_space<vmem>>, vector<128x128xf32>
    %dot_general3A = arith.constant dense<0.000000e+00> : vector<2000x128xf32>
    %dot_general3A_15 = tpu.matmul %get3A_11, %get3A_14, %dot_general3A {dimension_numbers = #tpu.dot_dimension_numbers<[1], [1], [0], [0], [0, 0, 1, 0], [], []>, transpose_lhs_hint = false} : vector<2000x128xf32>, vector<128x128xf32>, vector<2000x128xf32> -> vector<2000x128xf32>
    %get3A_16 = arith.constant 0 : index
    %get3A_17 = arith.constant 128 : index
    %get3A_18 = vector.load %arg3[%get3A_16, %get3A_17] : memref<128x256xf32, #tpu.memory_space<vmem>>, vector<128x128xf32>
    %dot_general3A_19 = arith.constant dense<0.000000e+00> : vector<2000x128xf32>
    %dot_general3A_20 = tpu.matmul %add3A, %get3A_18, %dot_general3A_19 {dimension_numbers = #tpu.dot_dimension_numbers<[1], [1], [0], [0], [0, 0, 1, 0], [], []>, transpose_lhs_hint = false} : vector<2000x128xf32>, vector<128x128xf32>, vector<2000x128xf32> -> vector<2000x128xf32>
    %add3A_21 = arith.addf %dot_general3A_15, %dot_general3A_20 : vector<2000x128xf32>
    %get3A_22 = arith.constant 0 : index
    %get3A_23 = arith.constant 0 : index
    %get3A_24 = vector.load %arg4[%get3A_22, %get3A_23] : memref<1x128xf32, #tpu.memory_space<vmem>>, vector<1x128xf32>
    %add3A_25 = vector.broadcast %get3A_24 : vector<1x128xf32> to vector<2000x128xf32>
    %add3A_26 = arith.addf %add3A_21, %add3A_25 : vector<2000x128xf32>
    %max3A = arith.constant 0.000000e+00 : f32
    %max3A_27 = vector.broadcast %max3A : f32 to vector<2000x128xf32>
    %max3A_28 = arith.maximumf %add3A_26, %max3A_27 : vector<2000x128xf32>
    %get3A_29 = arith.constant 0 : index
    %get3A_30 = arith.constant 0 : index
    %get3A_31 = vector.load %arg5[%get3A_29, %get3A_30] : memref<128x128xf32, #tpu.memory_space<vmem>>, vector<128x128xf32>
    %dot_general3A_32 = arith.constant dense<0.000000e+00> : vector<2000x128xf32>
    %dot_general3A_33 = tpu.matmul %max3A_28, %get3A_31, %dot_general3A_32 {dimension_numbers = #tpu.dot_dimension_numbers<[1], [1], [0], [0], [0, 0, 1, 0], [], []>, transpose_lhs_hint = false} : vector<2000x128xf32>, vector<128x128xf32>, vector<2000x128xf32> -> vector<2000x128xf32>
    %get3A_34 = arith.constant 0 : index
    %get3A_35 = arith.constant 0 : index
    %get3A_36 = vector.load %arg6[%get3A_34, %get3A_35] : memref<1x128xf32, #tpu.memory_space<vmem>>, vector<1x128xf32>
    %add3A_37 = vector.broadcast %get3A_36 : vector<1x128xf32> to vector<2000x128xf32>
    %add3A_38 = arith.addf %dot_general3A_33, %add3A_37 : vector<2000x128xf32>
    %swap3A = arith.constant 0 : index
    %swap3A_39 = arith.constant 0 : index
    %swap3A_40 = vector.load %arg7[%swap3A, %swap3A_39] : memref<2000x128xf32, #tpu.memory_space<vmem>>, vector<2000x128xf32>
    tpu.vector_store %arg7[%swap3A, %swap3A_39], %add3A_38 {strides = array<i32>} : memref<2000x128xf32, #tpu.memory_space<vmem>>, vector<2000x128xf32>,
    return
  }
  func.func @transform_0(%arg0: i32) -> (i32, i32) {
    %c0_i32 = arith.constant 0 : i32
    %c0_i32_0 = arith.constant 0 : i32
    return %arg0, %c0_i32 : i32, i32
  }
  func.func @transform_1(%arg0: i32) -> (i32, i32, i32) {
    %c0_i32 = arith.constant 0 : i32
    %c0_i32_0 = arith.constant 0 : i32
    %c0_i32_1 = arith.constant 0 : i32
    return %c0_i32, %arg0, %c0_i32_0 : i32, i32, i32
  }
  func.func @transform_2(%arg0: i32) -> (i32, i32) {
    %c0_i32 = arith.constant 0 : i32
    %c0_i32_0 = arith.constant 0 : i32
    %c0_i32_1 = arith.constant 0 : i32
    return %c0_i32, %c0_i32_0 : i32, i32
  }
  func.func @transform_3(%arg0: i32) -> (i32, i32) {
    %c0_i32 = arith.constant 0 : i32
    %c0_i32_0 = arith.constant 0 : i32
    %c0_i32_1 = arith.constant 0 : i32
    return %c0_i32, %c0_i32_0 : i32, i32
  }
  func.func @transform_4(%arg0: i32) -> (i32, i32) {
    %c0_i32 = arith.constant 0 : i32
    %c0_i32_0 = arith.constant 0 : i32
    %c0_i32_1 = arith.constant 0 : i32
    return %c0_i32, %c0_i32_0 : i32, i32
  }
  func.func @transform_5(%arg0: i32) -> (i32, i32) {
    %c0_i32 = arith.constant 0 : i32
    %c0_i32_0 = arith.constant 0 : i32
    %c0_i32_1 = arith.constant 0 : i32
    return %c0_i32, %c0_i32_0 : i32, i32
  }
  func.func @transform_6(%arg0: i32) -> (i32, i32) {
    %c0_i32 = arith.constant 0 : i32
    %c0_i32_0 = arith.constant 0 : i32
    return %arg0, %c0_i32 : i32, i32
  }
}

</mosaic_0001>

<sc_bundles>
// kernel: kernel.4.cloned.1.call-start
scs
__scs_entry_jumppad:
0x0: {  	(pc) =	sbr.rel $0x88, $3  }
0x1: {  	(tag) =	ssettag $0x0;
	lr =	simm.s32 $0x1  }
0x2: {  	[smem:$0x3F9A] =	sst lr;
	_ =	strace $0xD0000000  }
0x3: {  	_ = 	snop  }
0x4: {  	_ = 	snop  }
0x5: {  	_ = 	snop  }
0x6: {  	_ = 	snop  }
0x7: {  	_ = 	snop  }
__scs_overlays_trampoline_lowered:
0x8: {  	[smem:$0x3FA9] =	sst s0  }
0x9: {  	[smem:$0x3FAA] =	sst s1  }
0xa: {  	[smem:$0x3FAB] =	sst s2  }
0xb: {  	[smem:$0x3FAC] =	sst s3  }
0xc: {  	[smem:$0x3FAD] =	sst s4  }
0xd: {  	[smem:$0x3FAE] =	sst s5  }
0xe: {  	[smem:$0x3FAF] =	sst s6  }
0xf: {  	[smem:$0x3FB0] =	sst s7  }
0x10: {  	[smem:$0x3FB1] =	sst s8  }
0x11: {  	[smem:$0x3FB2] =	sst s9;
	s0 =	simm.s32 @!p0 $0x0  }
0x12: {  	s1 =	sld [smem:$0x3F98];
	s0 =	simm.s32 @p0 $0x1  }
0x13: {  	[smem:$0x3FB3] =	sst s0;
	s0 =	simm.s32 @!p1 $0x0  }
0x14: {  	s2 =	sld [smem:$0x3F97];
	s0 =	simm.s32 @p1 $0x1  }
0x15: {  	[smem:$0x3FB4] =	sst s0;
	s0 =	simm.s32 @!p2 $0x0  }
0x16: {  	s3 =	sld [smem:$0x3FDB];
	s0 =	simm.s32 @p2 $0x1  }
0x17: {  	s4 =	simm.s32 $0x1BF5;
	[smem:$0x3FB6] =	sst s0  }
0x18: {  	s0 =	sld [smem:$0x3F99];
	_ =	swait.ge [sflag:s4], $0x0  }
0x19: {  	s7 =	sld [smem:$0x3F9A]  }
0x1a: {  	s8 =	sadd.s32 $0xFFFFE003, lr  }
0x1b: {  	s9 =	sadd.s32 $0xFFFFFEF7, lr;
	s5 =	simm.s32 $0xFFFFFFFF;
	p2 =	slt.u32 s8, $0xFFFFF086  }
0x1c: {  	p1 =	slt.u32 s9, $0xF7A;
	s5 =	simm.s32 @!p2 $0x0  }
0x1d: {  	s5 =	simm.s32 @p1 $0x1;
	p0 =	seq.s32 s7, s2  }
0x1e: {  	s7 =	smul.u32 @!p0 $0xF7A, s2;
	p2 =	seq.s32 @!p0 s5, $0x0  }
0x1f: {  	s9 =	smul.u32 $0xF7A, s1;
	s8 =	simm.s32 @!p0 $0x1BF5;
	p2 =	por !p2, p0  }
0x20: {  	[sflag:s8] =	ssyncset.s32 @!p0 $0xFFFFF086;
	s6 =	sadd.s32 @!p0 s3, s7;
	s7 =	simm.s32 @!p0 $0x108  }
0x21: {  	s3 =	sadd.s32 s3, s9;
	s6 =	sadd.s32 @!p0 $0x88, s6;
	s7 =	simm.s32 @p2 $0x1082  }
0x22: {  	[simem:s7], [sflag:s8] =	dma.local @!p0 [hbm:s6], $0xF7A  }
0x23: {  	s9 =	sor.u32 $0xD0000000, s2;
	s6 =	simm.s32 $0x108;
	_ =	swait.ge @!p0 [sflag:s8], $0x0  }
0x24: {  	s3 =	sadd.s32 $0x88, s3;
	s6 =	simm.s32 @!p1 $0x1082;
	[sflag:s4] =	ssyncset.s32 $0xFFFFF086  }
0x25: {  	[simem:s6], [sflag:s4] =	dma.local [hbm:s3], $0xF7A  }
0x26: {  	[smem:$0x3F9A] =	sst s1;
	(tag) =	ssettag s2;
	_ =	strace s9  }
0x27: {  	s1 =	sld [smem:$0x3FAA]  }
0x28: {  	s2 =	sld [smem:$0x3FAB]  }
0x29: {  	s4 =	sld [smem:$0x3FAD]  }
0x2a: {  	p0 =	seq.s32 s5, $0x0;
	s5 =	sld [smem:$0x3FAE]  }
0x2b: {  	s6 =	sld [smem:$0x3FAF]  }
0x2c: {  	s7 =	sld [smem:$0x3FB0]  }
0x2d: {  	s3 =	simm.s32 $0x108;
	s8 =	sld [smem:$0x3FB1]  }
0x2e: {  	s3 =	simm.s32 @!p0 $0x1082;
	s9 =	sld [smem:$0x3FB2]  }
0x2f: {  	lr =	sadd.s32 s0, s3;
	s0 =	sld [smem:$0x3FA9]  }
0x30: {  	s3 =	sld [smem:$0x3FAC]  }
0x31: {  	[smem:$0x3FB5] =	sst s10  }
0x32: {  	s10 =	sld [smem:$0x3FB3];
	_ =	sdelay $0x3  }
0x33: {  	p0 =	seq.s32 s10, $0x1;
	s10 =	sld [smem:$0x3FB5];
	_ =	sdelay $0x3  }
0x34: {  	[smem:$0x3FB5] =	sst s10  }
0x35: {  	s10 =	sld [smem:$0x3FB4];
	_ =	sdelay $0x3  }
0x36: {  	p1 =	seq.s32 s10, $0x1;
	s10 =	sld [smem:$0x3FB5];
	_ =	sdelay $0x3  }
0x37: {  	[smem:$0x3FB5] =	sst s10  }
0x38: {  	s10 =	sld [smem:$0x3FB6]  }
0x39: {  	_ = 	snop;
	(pc) =	sbr.ind lr, $3  }
0x3a: {  	_ = 	snop  }
0x3b: {  	_ = 	snop  }
0x3c: {  	p2 =	seq.s32 s10, $0x1;
	s10 =	sld [smem:$0x3FB5]  }
0x3d: {  	_ =	shalt  }
0x3e: {  	_ =	shalt  }
0x3f: {  	_ =	shalt  }
0x40: {  	_ =	shalt  }
0x41: {  	_ =	shalt  }
0x42: {  	_ =	shalt  }
0x43: {  	_ =	shalt  }
0x44: {  	_ =	shalt  }
0x45: {  	_ =	shalt  }
0x46: {  	_ =	shalt  }
0x47: {  	_ =	shalt  }
0x48: {  	_ =	shalt  }
0x49: {  	_ =	shalt  }
0x4a: {  	_ =	shalt  }
0x4b: {  	_ =	shalt  }
0x4c: {  	_ =	shalt  }
0x4d: {  	_ =	shalt  }
0x4e: {  	_ =	shalt  }
0x4f: {  	_ =	shalt  }
0x50: {  	_ =	shalt  }
0x51: {  	_ =	shalt  }
0x52: {  	_ =	shalt  }
0x53: {  	_ =	shalt  }
0x54: {  	_ =	shalt  }
0x55: {  	_ =	shalt  }
0x56: {  	_ =	shalt  }
0x57: {  	_ =	shalt  }
0x58: {  	_ =	shalt  }
0x59: {  	_ =	shalt  }
0x5a: {  	_ =	shalt  }
0x5b: {  	_ =	shalt  }
0x5c: {  	_ =	shalt  }
0x5d: {  	_ =	shalt  }
0x5e: {  	_ =	shalt  }
0x5f: {  	_ =	shalt  }
0x60: {  	_ =	shalt  }
0x61: {  	_ =	shalt  }
0x62: {  	_ =	shalt  }
0x63: {  	_ =	shalt  }
0x64: {  	_ =	shalt  }
0x65: {  	_ =	shalt  }
0x66: {  	_ =	shalt  }
0x67: {  	_ =	shalt  }
0x68: {  	_ =	shalt  }
0x69: {  	_ =	shalt  }
0x6a: {  	_ =	shalt  }
0x6b: {  	_ =	shalt  }
0x6c: {  	_ =	shalt  }
0x6d: {  	_ =	shalt  }
0x6e: {  	_ =	shalt  }
0x6f: {  	_ =	shalt  }
0x70: {  	_ =	shalt  }
0x71: {  	_ =	shalt  }
0x72: {  	_ =	shalt  }
0x73: {  	_ =	shalt  }
0x74: {  	_ =	shalt  }
0x75: {  	_ =	shalt  }
0x76: {  	_ =	shalt  }
0x77: {  	_ =	shalt  }
0x78: {  	_ =	shalt  }
0x79: {  	_ =	shalt  }
0x7a: {  	_ =	shalt  }
0x7b: {  	_ =	shalt  }
0x7c: {  	_ =	shalt  }
0x7d: {  	_ =	shalt  }
0x7e: {  	_ =	shalt  }
0x7f: {  	_ =	shalt  }
0x80: {  	_ =	shalt  }
0x81: {  	_ =	shalt  }
0x82: {  	_ =	shalt  }
0x83: {  	_ =	shalt  }
0x84: {  	_ =	shalt  }
0x85: {  	_ =	shalt  }
0x86: {  	_ =	shalt  }
0x87: {  	_ =	shalt  }
.Lfunc_end0:
.L_simem_size_0:
called_computation_lowered:
.L_overlay_start_0:
0x88: {  	s2 =	sld [smem:$0x3FD9]  }
0x89: {  	s3 =	sld [smem:$0x3FFE];
	_ =	sdelay $0x1  }
0x8a: {  	s1 =	srdreg.scid  }
0x8b: {  	s0 =	sand.u32 $0x1, s1  }
0x8c: {  	s17 =	sshll.u32 s0, $0xA;
	s2 =	sadd.s32 s3, s2  }
0x8d: {  	s2 =	sadd.s32 s2, s17  }
0x8e: {  	[smem:$0x3FC1] =	sst s2  }
0x8f: {  	_ = 	snop  }
0x90: {  	s2 =	sld [smem:$0x3FC8]  }
0x91: {  	s18 =	sld [smem:$0x3FC7]  }
0x92: {  	s4 =	sld [smem:$0x3FD0];
	(tm) =	ssettm $0x1  }
0x93: {  	s5 =	sld [smem:$0x3FFB];
	_ =	sdelay $0x3  }
0x94: {  	_ =	strace s5  }
0x95: {  	s5 =	sld [smem:$0x3FFC];
	_ =	sdelay $0x3  }
0x96: {  	_ =	strace s5  }
0x97: {  	s5 =	sld [smem:$0x3FFD];
	_ =	sdelay $0x3  }
0x98: {  	_ =	strace s5  }
0x99: {  	_ =	strace $0x8FFFFFFF  }
0x9a: {  	s19 =	sld [smem:$0x3FDB];
	_ =	sdelay $0x1  }
0x9b: {  	s6 =	simm.s32 $_scs_section_size  }
0x9c: {  	s7 =	simm.s32 $_size__tile_overlayer_lowered;
	s8 =	simm.s32 $_tile_overlayer_lowered  }
0x9d: {  	s22 =	simm.s32 $0x1BFF;
	s21 =	sshll.u32 s8, $0x1;
	s5 =	sadd.s32 s6, s19  }
0x9e: {  	s9 =	simm.s32 $0x0;
	s20 =	sshll.u32 s7, $0x1;
	s7 =	sadd.s32 s21, s5  }
0x9f: {  	[timem:s9], [sflag:s22] =	dma.local [hbm:s7], s20  }
0xa0: {  	_ =	swait.ge [sflag:s22], s20  }
0xa1: {  	s6 =	ssub.s32 $0x0, s20;
	[sflag:s22] =	ssyncset.done $0x0  }
0xa2: {  	[sflag:s22] =	ssyncadd.s32 s6;
	_ =	sdelay $0x1  }
0xa3: {  	s23 =	simm.s32 $0x1B8B  }
0xa4: {  	_ =	swait.ge [sflag:s23], $0x1  }
0xa5: {  	[sflag:s23] =	ssyncset.done $0x0  }
0xa6: {  	s25 =	simm.s32 $0x1B8E;
	s24 =	sld [smem:$0x3FFE];
	[sflag:s23] =	ssyncadd.s32 $0xFFFFFFFF  }
0xa7: {  	s26 =	simm.s32 $execute0_lowered;
	[smem:$0x3FD2] =	sst s25  }
0xa8: {  	s7 =	sshll.u32 s26, $0x1;
	_ =	strace $0x80000046;
	[dreg:$0x1] =	wrdreg $0xFFFFFFFF  }
0xa9: {  	s28 =	simm.s32 $_size_execute0_lowered;
	s5 =	sadd.s32 s5, s7;
	[dreg:$0x0] =	wrdreg $0x0  }
0xaa: {  	s7 =	sshll.u32 s28, $0x1;
	[dreg:$0x2] =	wrdreg s5  }
0xab: {  	[dreg:$0x3] =	wrdreg s7  }
0xac: {  	[dreg:$0x4] =	wrdreg $0xC0  }
0xad: {  	_ =	task [dreg:s9], $0x5FFFF  }
0xae: {  	[dreg:$0x1] =	wrdreg $0xFFFFFFFF  }
0xaf: {  	[dreg:$0x0] =	wrdreg $0x60  }
0xb0: {  	[dreg:$0x2] =	wrdreg s4  }
0xb1: {  	[dreg:$0x3] =	wrdreg s2  }
0xb2: {  	[dreg:$0x4] =	wrdreg s18  }
0xb3: {  	[dreg:$0x5] =	wrdreg s24  }
0xb4: {  	[dreg:$0x6] =	wrdreg $0x0  }
0xb5: {  	[dreg:$0x7] =	wrdreg $0x9  }
0xb6: {  	_ =	task.clear_ibuf [dreg:s9], $0x8FFFF;
	_ =	strace $0x90000046  }
0xb7: {  	s29 =	simm.s32 $0x9;
	_ =	strace $0x80000048  }
0xb8: {  	_ =	swait.ge [sflag:s29], $0x1  }
0xb9: {  	[sflag:s29] =	ssyncadd.s32 $0xFFFFFFFF  }
0xba: {  	_ =	strace $0x90000048  }
0xbb: {  	_ =	sfence  }
0xbc: {  	s30 =	sld [smem:$0x0];
	_ =	sdelay $0x2  }
0xbd: {  	s31 =	sshll.u32 s1, $0xD;
	s1 =	sshrl.u32 s1, $0x2  }
0xbe: {  	s3 =	sand.u32 $0x4000, s31;
	s1 =	sadd.s32 s1, s30  }
0xbf: {  	s0 =	sor.u32 s3, s0;
	s1 =	sshll.u32 s1, $0x11  }
0xc0: {  	s0 =	sor.u32 s1, s0  }
0xc1: {  	s0 =	sadd.s32 $0x8F2B, s0  }
0xc2: {  	[sflag:s0] =	ssyncadd.remote.s32 $0x1  }
0xc3: {  	_ =	sfence.sel $0xFFFF  }
0xc4: {  	[dreg:$0x0] =	wrdreg $0xFFFFFFFF;
	(pc) =	sbr.abs _section_cstart, $3  }
0xc5: {  	[dreg:$0x1] =	wrdreg $0xFFFFFFFF  }
0xc6: {  	_ =	task.clear_ibuf [dreg:s9], $0x2FFFF;
	_ =	strace $0x9FFFFFFF  }
0xc7: {  	(tm) =	ssettm $0x7FFFFFFF  }
tec
execute0_lowered:
.L_overlay_start_1:
0x0: {  	(tag) =	ssettag $0x1  }
0x1: {  	s0 =	rddreg [dreg:$0x1]  }
0x2: {  	s3 =	rddreg [dreg:$0x2]  }
0x3: {  	s1 =	rddreg [dreg:$0x3];
	s2 =	simm.s32 $0x0;
	s4 =	srdreg.scid  }
0x4: {  	s17 =	stileid.u32;
	s28 =	simm.s32 $0x14000;
	s29 =	simm.s32 $0x1C000  }
0x5: {  	s30 =	simm.s32 $0x18000;
	s31 =	simm.s32 $0x5;
	[smem:$0x7FF] =	sst s2  }
0x6: {  	s4 =	sand.u32 $0x1, s4;
	s7 =	sadd.s32 $0x1000, s1;
	s10 =	smul.u32 $0x14000, s17  }
0x7: {  	s5 =	ssub.s32 $0x2, s4;
	s6 =	sshll.u32 s4, $0x4;
	s14 =	smul.u32 $0x140000, s4  }
0x8: {  	s15 =	sshrl.u32 s5, $0x1;
	s6 =	sor.u32 s17, s6;
	s24 =	sadd.s32 $0x10000, s10  }
0x9: {  	s8 =	sshll.u32 s6, $0xB;
	s9 =	sshll.u32 s6, $0x5;
	s1 =	ssub.s32 s5, s15  }
0xa: {  	s5 =	sadd.s32 $0x4000, s10;
	s12 =	sshll.u32 s6, $0x7;
	s25 =	sadd.s32 s14, s24  }
0xb: {  	p0 =	sgt.u32 s6, $0x3;
	s6 =	simm.s32 $0x1C180;
	s16 =	sadd.s32 s3, s8  }
0xc: {  	s18 =	sadd.s32 s0, s9;
	s8 =	sadd.s32 $0x8000, s10;
	s9 =	sshll.u32 s17, $0x7  }
0xd: {  	s15 =	sor.u32 $0x2000, s12;
	s19 =	sadd.s32 s14, s5;
	[dreg:$0x6] =	wrdreg s16  }
0xe: {  	s26 =	sor.u32 $0x1000, s12;
	[dreg:$0x7] =	wrdreg s18;
	s16 =	sadd.s32 $0xC000, s10  }
0xf: {  	s11 =	sor.u32 $0x4E000, s9;
	s10 =	sadd.s32 s10, s14;
	s20 =	sadd.s32 s14, s8  }
0x10: {  	s12 =	sshll.u32 s26, $0x4;
	s18 =	sshll.u32 s4, $0xB;
	s4 =	sshll.u32 s4, $0xF  }
0x11: {  	s13 =	sshll.u32 s11, $0x4;
	s11 =	sshrl.u32 s11, $0x2;
	s10 =	sshrl.u32 s10, $0x3  }
0x12: {  	s22 =	sshrl.u32 s20, $0x3;
	s23 =	sadd.s32 s14, s16;
	s13 =	sadd.s32 s3, s13  }
0x13: {  	s14 =	sshrl.u32 s26, $0x2;
	s11 =	sadd.s32 s0, s11;
	[dreg:$0x8] =	wrdreg s13  }
0x14: {  	s20 =	sshll.u32 s15, $0x4;
	s10 =	sadd.s32 s7, s10;
	[dreg:$0x9] =	wrdreg s11  }
0x15: {  	s11 =	sshrl.u32 s19, $0x3;
	[dreg:$0xa] =	wrdreg s10;
	s10 =	sadd.s32 s7, s22  }
0x16: {  	s13 =	sadd.s32 s0, s14;
	s19 =	sor.u32 s9, s18;
	s14 =	sadd.s32 s3, s20  }
0x17: {  	s22 =	sshll.u32 s17, $0xB;
	s21 =	sadd.s32 s7, s11;
	[dreg:$0xc] =	wrdreg s10  }
0x18: {  	s10 =	sshrl.u32 s23, $0x3;
	s11 =	sshrl.u32 s25, $0x3;
	s23 =	sor.u32 $0x3000, s19  }
0x19: {  	s25 =	smul.u32 $0x50000, s17;
	[dreg:$0xb] =	wrdreg s21;
	s10 =	sadd.s32 s7, s10  }
0x1a: {  	s7 =	sadd.s32 s7, s11;
	s21 =	sshrl.u32 s15, $0x2;
	[dreg:$0xd] =	wrdreg s10  }
0x1b: {  	[dreg:$0xe] =	wrdreg s7;
	s7 =	sadd.s32 s3, s12;
	s15 =	sadd.s32 s0, s21  }
0x1c: {  	s3 =	sadd.s32 s4, s3;
	s4 =	sshrl.u32 s23, $0x2;
	s26 =	sshrl.u32 s25, $0x2  }
0x1d: {  	s25 =	smax.u32 s1, $0x1;
	s1 =	simm.s32 $0x1;
	[dreg:$0xf] =	wrdreg s7  }
0x1e: {  	s3 =	sadd.s32 s22, s3;
	s7 =	sor.u32 $0x4000, s19;
	s17 =	sadd.s32 s4, s0  }
0x1f: {  	s19 =	rddreg [dreg:$0x4];
	s4 =	simm.s32 $0x1C100;
	s7 =	sshrl.u32 s7, $0x2  }
.Ltmp0:
0x20: {  	_ =	strace $0x80000047;
	s20 =	sadd.s32 s26, s19;
	(pc) =	sbr.rel .LBB2_1-.Ltmp0, $4  }
0x21: {  	s21 =	sadd.s32 s5, s19;
	s22 =	sadd.s32 s8, s19;
	s23 =	sadd.s32 s16, s19  }
0x22: {  	s24 =	sadd.s32 s24, s19;
	s9 =	sadd.s32 $0x30000, s3;
	s16 =	simm.s32 $0x4  }
0x23: {  	s3 =	simm.s32 $0x1C080;
	s5 =	simm.s32 $0x2;
	s8 =	simm.s32 $0x0  }
0x24: {  	s18 =	sadd.s32 s7, s0;
	s0 =	simm.s32 $0x80;
	s7 =	simm.s32 $0x3  }
.LBB2_4:
0x25: {  	s10 =	simm.s32 @!p0 $0x0;
	s11 =	simm.s32 @!p0 $0x14000;
	s26 =	rddreg [dreg:$0x8]  }
0x26: {  	[tilespmem:s11], [sflag:$0x1] =	stream.linear.gather @!p0 [hbm4b:s26+s10], $0x4000, $0x38;
	[tilespmem:$0x1C200] =	vst v63  }
0x27: {  	s12 =	rddreg [dreg:$0x9];
	s26 =	simm.s32 @!p0 $0x1C000  }
0x28: {  	[tilespmem:s26], [sflag:$0x1] =	stream.linear.gather @!p0 [hbm4b:s12+s10], $0x100, $0x38;
	[tilespmem:$0x1C200] =	vst v63  }
0x29: {  	s10 =	simm.s32 @!p0 $0x4  }
0x2a: {  	_ =	swait.ge @!p0 [sflag:s10], $0x4000  }
0x2b: {  	[sflag:s10] =	ssyncset.done @!p0 $0x0  }
0x2c: {  	[sflag:s10] =	ssyncadd.s32 @!p0 $0xFFFFC000  }
0x2d: {  	_ =	swait.ge @!p0 [sflag:s10], $0x4000  }
0x2e: {  	[sflag:s10] =	ssyncset.done @!p0 $0x0  }
0x2f: {  	[sflag:s10] =	ssyncadd.s32 @!p0 $0xFFFFC000;
	s10 =	simm.s32 @!p0 $0x1  }
0x30: {  	_ =	swait.ge @!p0 [sflag:s10], $0x4000  }
0x31: {  	[sflag:s10] =	ssyncset.done @!p0 $0x0  }
0x32: {  	[sflag:s10] =	ssyncadd.s32 @!p0 $0xFFFFC000  }
0x33: {  	_ =	swait.ge @!p0 [sflag:s10], $0x100  }
0x34: {  	[sflag:s10] =	ssyncset.done @!p0 $0x0  }
0x35: {  	[sflag:s10] =	ssyncadd.s32 @!p0 $0xFFFFFF00;
	s10 =	simm.s32 @!p0 $0x80  }
0x36: {  	[spmem:s19] =	stream.indirect.scatter.add.f32 @!p0 [tilespmem:s11], [sflag:$0x3], $0x80, s26, s10, $0xb8;
	[tilespmem:$0x1C200] =	vst v63  }
0x37: {  	s26 =	simm.s32 @!p0 $0x1C080  }
0x38: {  	[spmem:s19] =	stream.indirect.scatter.add.f32 @!p0 [tilespmem:s11], [sflag:$0x3], $0x80, s26, s10, $0xb8;
	[tilespmem:$0x1C200] =	vst v63  }
0x39: {  	s10 =	simm.s32 @!p0 $0x3  }
0x3a: {  	s10 =	simm.s32 @p0 $0x4  }
0x3b: {  	_ =	swait.ge [sflag:s10], $0x4000  }
0x3c: {  	[sflag:s10] =	ssyncset.done $0x0  }
0x3d: {  	[sflag:s10] =	ssyncadd.s32 $0xFFFFC000  }
0x3e: {  	_ =	swait.ge [sflag:s10], $0x4000  }
0x3f: {  	[sflag:s10] =	ssyncset.done $0x0  }
0x40: {  	[sflag:s10] =	ssyncadd.s32 $0xFFFFC000  }
0x41: {  	[bflag:$0x0] =	sbarrier.arrive $0xFFFF  }
0x42: {  	[tilespmem:s28], [sflag:$0x5] =	stream.linear.gather [spmem:s20], $0x4000, $0x38;
	[tilespmem:$0x1C200] =	vst v63  }
0x43: {  	_ =	swait.ge [sflag:s31], $0x4000  }
0x44: {  	[sflag:s31] =	ssyncset.done $0x0  }
0x45: {  	s12 =	rddreg [dreg:$0xa];
	[sflag:s31] =	ssyncadd.s32 $0xFFFFC000  }
0x46: {  	[hbm4b:s12+s2] =	stream.linear.scatter [tilespmem:s28], [sflag:$0x1], $0x4000, $0x38;
	[tilespmem:$0x1C200] =	vst v63  }
0x47: {  	_ = 	snop  }
0x48: {  	[tilespmem:s30], [sflag:$0x5] =	stream.linear.gather [spmem:s21], $0x4000, $0x38;
	[tilespmem:$0x1C200] =	vst v63  }
0x49: {  	_ =	swait.ge [sflag:s31], $0x4000  }
0x4a: {  	[sflag:s31] =	ssyncset.done $0x0  }
0x4b: {  	s26 =	rddreg [dreg:$0xb];
	[sflag:s31] =	ssyncadd.s32 $0xFFFFC000  }
0x4c: {  	[hbm4b:s26+s2] =	stream.linear.scatter [tilespmem:s30], [sflag:$0x2], $0x4000, $0x38;
	[tilespmem:$0x1C200] =	vst v63  }
0x4d: {  	_ =	swait.ge [sflag:s1], $0x4000  }
0x4e: {  	[sflag:s1] =	ssyncset.done $0x0  }
0x4f: {  	[sflag:s1] =	ssyncadd.s32 $0xFFFFC000  }
0x50: {  	[tilespmem:s28], [sflag:$0x5] =	stream.linear.gather [spmem:s22], $0x4000, $0x38;
	[tilespmem:$0x1C200] =	vst v63  }
0x51: {  	_ =	swait.ge [sflag:s31], $0x4000  }
0x52: {  	[sflag:s31] =	ssyncset.done $0x0  }
0x53: {  	s11 =	rddreg [dreg:$0xc];
	[sflag:s31] =	ssyncadd.s32 $0xFFFFC000  }
0x54: {  	[hbm4b:s11+s2] =	stream.linear.scatter [tilespmem:s28], [sflag:$0x1], $0x4000, $0x38;
	[tilespmem:$0x1C200] =	vst v63  }
0x55: {  	_ =	swait.ge [sflag:s5], $0x4000  }
0x56: {  	[sflag:s5] =	ssyncset.done $0x0  }
0x57: {  	[sflag:s5] =	ssyncadd.s32 $0xFFFFC000  }
0x58: {  	[tilespmem:s30], [sflag:$0x5] =	stream.linear.gather [spmem:s23], $0x4000, $0x38;
	[tilespmem:$0x1C200] =	vst v63  }
0x59: {  	_ =	swait.ge [sflag:s31], $0x4000  }
0x5a: {  	[sflag:s31] =	ssyncset.done $0x0  }
0x5b: {  	s12 =	rddreg [dreg:$0xd];
	[sflag:s31] =	ssyncadd.s32 $0xFFFFC000  }
0x5c: {  	[hbm4b:s12+s2] =	stream.linear.scatter [tilespmem:s30], [sflag:$0x2], $0x4000, $0x38;
	[tilespmem:$0x1C200] =	vst v63  }
0x5d: {  	_ =	swait.ge [sflag:s1], $0x4000  }
0x5e: {  	[sflag:s1] =	ssyncset.done $0x0  }
0x5f: {  	[sflag:s1] =	ssyncadd.s32 $0xFFFFC000  }
0x60: {  	[tilespmem:s28], [sflag:$0x5] =	stream.linear.gather [spmem:s24], $0x4000, $0x38;
	[tilespmem:$0x1C200] =	vst v63  }
0x61: {  	_ =	swait.ge [sflag:s31], $0x4000  }
0x62: {  	[sflag:s31] =	ssyncset.done $0x0  }
0x63: {  	s8 =	sadd.s32 $0x1, s8;
	s26 =	rddreg [dreg:$0xe];
	[sflag:s31] =	ssyncadd.s32 $0xFFFFC000  }
0x64: {  	[hbm4b:s26+s2] =	stream.linear.scatter [tilespmem:s28], [sflag:$0x1], $0x4000, $0x38;
	[tilespmem:$0x1C200] =	vst v63  }
0x65: {  	p1 =	sne.s32 s8, s25;
	_ =	swait.ge [sflag:s5], $0x4000  }
.Ltmp1:
0x66: {  	[sflag:s5] =	ssyncset.done $0x0;
	(pc) =	sbr.rel @!p1 .LBB2_5-.Ltmp1, $4  }
0x67: {  	[sflag:s5] =	ssyncadd.s32 $0xFFFFC000  }
0x68: {  	_ =	swait.ge [sflag:s1], $0x4000  }
0x69: {  	[sflag:s1] =	ssyncset.done $0x0  }
0x6a: {  	[sflag:s1] =	ssyncadd.s32 $0xFFFFC000  }
.LBB2_1:
0x6b: {  	s10 =	rddreg [dreg:$0x6]  }
0x6c: {  	[tilespmem:s28], [sflag:$0x1] =	stream.linear.gather [hbm4b:s10+s2], $0x4000, $0x38;
	[tilespmem:$0x1C200] =	vst v63  }
0x6d: {  	s11 =	rddreg [dreg:$0x7]  }
0x6e: {  	[tilespmem:s29], [sflag:$0x1] =	stream.linear.gather [hbm4b:s11+s2], $0x100, $0x38;
	[tilespmem:$0x1C200] =	vst v63  }
0x6f: {  	s12 =	rddreg [dreg:$0x0]  }
0x70: {  	[tilespmem:s30], [sflag:$0x5] =	stream.linear.gather [hbm4b:s12+s2], $0x4000, $0x38;
	[tilespmem:$0x1C200] =	vst v63  }
0x71: {  	_ =	swait.ge [sflag:s31], $0x4000  }
0x72: {  	[sflag:s31] =	ssyncset.done $0x0  }
0x73: {  	[sflag:s31] =	ssyncadd.s32 $0xFFFFC000  }
0x74: {  	[spmem:s20] =	stream.linear.scatter [tilespmem:s30], [sflag:$0x4], $0x4000, $0x38;
	[tilespmem:$0x1C200] =	vst v63  }
0x75: {  	_ = 	snop  }
0x76: {  	[spmem:s21] =	stream.linear.scatter [tilespmem:s30], [sflag:$0x4], $0x4000, $0x38;
	[tilespmem:$0x1C200] =	vst v63  }
0x77: {  	_ = 	snop  }
0x78: {  	[spmem:s22] =	stream.linear.scatter [tilespmem:s30], [sflag:$0x4], $0x4000, $0x38;
	[tilespmem:$0x1C200] =	vst v63  }
0x79: {  	_ = 	snop  }
0x7a: {  	[spmem:s23] =	stream.linear.scatter [tilespmem:s30], [sflag:$0x4], $0x4000, $0x38;
	[tilespmem:$0x1C200] =	vst v63  }
0x7b: {  	_ = 	snop  }
0x7c: {  	[spmem:s24] =	stream.linear.scatter [tilespmem:s30], [sflag:$0x4], $0x4000, $0x38;
	[tilespmem:$0x1C200] =	vst v63  }
0x7d: {  	_ =	swait.ge [sflag:s16], $0x4000  }
0x7e: {  	[sflag:s16] =	ssyncset.done $0x0  }
0x7f: {  	[sflag:s16] =	ssyncadd.s32 $0xFFFFC000  }
0x80: {  	_ =	swait.ge [sflag:s16], $0x4000  }
0x81: {  	[sflag:s16] =	ssyncset.done $0x0  }
0x82: {  	[sflag:s16] =	ssyncadd.s32 $0xFFFFC000  }
0x83: {  	_ =	swait.ge [sflag:s16], $0x4000  }
0x84: {  	[sflag:s16] =	ssyncset.done $0x0  }
0x85: {  	[sflag:s16] =	ssyncadd.s32 $0xFFFFC000  }
0x86: {  	_ =	swait.ge [sflag:s16], $0x4000  }
0x87: {  	[sflag:s16] =	ssyncset.done $0x0  }
0x88: {  	[sflag:s16] =	ssyncadd.s32 $0xFFFFC000  }
0x89: {  	_ =	swait.ge [sflag:s16], $0x4000  }
0x8a: {  	[sflag:s16] =	ssyncset.done $0x0  }
0x8b: {  	[sflag:s16] =	ssyncadd.s32 $0xFFFFC000  }
0x8c: {  	[bflag:$0x0] =	sbarrier.arrive $0xFFFF  }
0x8d: {  	_ =	swait.ge [sflag:s1], $0x4000  }
0x8e: {  	[sflag:s1] =	ssyncset.done $0x0  }
0x8f: {  	[sflag:s1] =	ssyncadd.s32 $0xFFFFC000  }
0x90: {  	_ =	swait.ge [sflag:s1], $0x100  }
0x91: {  	[sflag:s1] =	ssyncset.done $0x0  }
0x92: {  	[sflag:s1] =	ssyncadd.s32 $0xFFFFFF00  }
0x93: {  	[spmem:s19] =	stream.indirect.scatter.add.f32 [tilespmem:s28], [sflag:$0x3], $0x80, s29, s0, $0xb8;
	[tilespmem:$0x1C200] =	vst v63  }
0x94: {  	_ = 	snop  }
0x95: {  	[spmem:s19] =	stream.indirect.scatter.add.f32 [tilespmem:s28], [sflag:$0x3], $0x80, s3, s0, $0xb8;
	[tilespmem:$0x1C200] =	vst v63  }
0x96: {  	s26 =	rddreg [dreg:$0xf]  }
0x97: {  	[tilespmem:s30], [sflag:$0x2] =	stream.linear.gather [hbm4b:s26+s2], $0x4000, $0x38;
	[tilespmem:$0x1C200] =	vst v63  }
0x98: {  	_ = 	snop  }
0x99: {  	[tilespmem:s4], [sflag:$0x2] =	stream.linear.gather [hbm4b:s13+s2], $0x100, $0x38;
	[tilespmem:$0x1C200] =	vst v63  }
0x9a: {  	_ =	swait.ge [sflag:s5], $0x4000  }
0x9b: {  	[sflag:s5] =	ssyncset.done $0x0  }
0x9c: {  	[sflag:s5] =	ssyncadd.s32 $0xFFFFC000  }
0x9d: {  	_ =	swait.ge [sflag:s5], $0x100  }
0x9e: {  	[sflag:s5] =	ssyncset.done $0x0  }
0x9f: {  	[sflag:s5] =	ssyncadd.s32 $0xFFFFFF00  }
0xa0: {  	[spmem:s19] =	stream.indirect.scatter.add.f32 [tilespmem:s30], [sflag:$0x4], $0x80, s4, s0, $0xb8;
	[tilespmem:$0x1C200] =	vst v63  }
0xa1: {  	_ = 	snop  }
0xa2: {  	[spmem:s19] =	stream.indirect.scatter.add.f32 [tilespmem:s30], [sflag:$0x4], $0x80, s6, s0, $0xb8;
	[tilespmem:$0x1C200] =	vst v63  }
0xa3: {  	_ =	swait.ge [sflag:s7], $0x4000  }
0xa4: {  	[sflag:s7] =	ssyncset.done $0x0  }
0xa5: {  	[sflag:s7] =	ssyncadd.s32 $0xFFFFC000  }
0xa6: {  	_ =	swait.ge [sflag:s7], $0x4000  }
0xa7: {  	[sflag:s7] =	ssyncset.done $0x0  }
0xa8: {  	[sflag:s7] =	ssyncadd.s32 $0xFFFFC000  }
0xa9: {  	[tilespmem:s28], [sflag:$0x1] =	stream.linear.gather [hbm4b:s14+s2], $0x4000, $0x38;
	[tilespmem:$0x1C200] =	vst v63  }
0xaa: {  	s10 =	simm.s32 $0x0;
	s26 =	smov.u32 s9  }
0xab: {  	[tilespmem:s29], [sflag:$0x1] =	stream.linear.gather [hbm4b:s15+s2], $0x100, $0x38;
	[tilespmem:$0x1C200] =	vst v63  }
.LBB2_2:
0xac: {  	_ =	swait.ge [sflag:s1], $0x4000  }
0xad: {  	[sflag:s1] =	ssyncset.done $0x0  }
0xae: {  	[sflag:s1] =	ssyncadd.s32 $0xFFFFC000  }
0xaf: {  	_ =	swait.ge [sflag:s1], $0x100  }
0xb0: {  	[sflag:s1] =	ssyncset.done $0x0  }
0xb1: {  	[sflag:s1] =	ssyncadd.s32 $0xFFFFFF00  }
0xb2: {  	[spmem:s19] =	stream.indirect.scatter.add.f32 [tilespmem:s28], [sflag:$0x3], $0x80, s29, s0, $0xb8;
	[tilespmem:$0x1C200] =	vst v63  }
0xb3: {  	_ = 	snop  }
0xb4: {  	[spmem:s19] =	stream.indirect.scatter.add.f32 [tilespmem:s28], [sflag:$0x3], $0x80, s3, s0, $0xb8;
	[tilespmem:$0x1C200] =	vst v63  }
0xb5: {  	_ =	swait.ge [sflag:s16], $0x4000  }
0xb6: {  	[sflag:s16] =	ssyncset.done $0x0  }
0xb7: {  	[sflag:s16] =	ssyncadd.s32 $0xFFFFC000  }
0xb8: {  	_ =	swait.ge [sflag:s16], $0x4000  }
0xb9: {  	[sflag:s16] =	ssyncset.done $0x0  }
0xba: {  	[sflag:s16] =	ssyncadd.s32 $0xFFFFC000  }
0xbb: {  	[tilespmem:s30], [sflag:$0x2] =	stream.linear.gather [hbm4b:s26+s2], $0x4000, $0x38;
	[tilespmem:$0x1C200] =	vst v63  }
0xbc: {  	s11 =	sadd.s32 s10, s17  }
0xbd: {  	[tilespmem:s4], [sflag:$0x2] =	stream.linear.gather [hbm4b:s11+s2], $0x100, $0x38;
	[tilespmem:$0x1C200] =	vst v63  }
0xbe: {  	_ =	swait.ge [sflag:s5], $0x4000  }
0xbf: {  	[sflag:s5] =	ssyncset.done $0x0  }
0xc0: {  	[sflag:s5] =	ssyncadd.s32 $0xFFFFC000  }
0xc1: {  	_ =	swait.ge [sflag:s5], $0x100  }
0xc2: {  	[sflag:s5] =	ssyncset.done $0x0  }
0xc3: {  	[sflag:s5] =	ssyncadd.s32 $0xFFFFFF00  }
0xc4: {  	[spmem:s19] =	stream.indirect.scatter.add.f32 [tilespmem:s30], [sflag:$0x4], $0x80, s4, s0, $0xb8;
	[tilespmem:$0x1C200] =	vst v63  }
0xc5: {  	_ = 	snop  }
0xc6: {  	[spmem:s19] =	stream.indirect.scatter.add.f32 [tilespmem:s30], [sflag:$0x4], $0x80, s6, s0, $0xb8;
	[tilespmem:$0x1C200] =	vst v63  }
0xc7: {  	p1 =	seq.s32 s10, $0x12800;
	_ =	swait.ge [sflag:s7], $0x4000  }
.Ltmp2:
0xc8: {  	[sflag:s7] =	ssyncset.done $0x0;
	(pc) =	sbr.rel @p1 .LBB2_4-.Ltmp2, $4  }
0xc9: {  	[sflag:s7] =	ssyncadd.s32 $0xFFFFC000  }
0xca: {  	_ =	swait.ge [sflag:s7], $0x4000  }
0xcb: {  	[sflag:s7] =	ssyncset.done $0x0  }
0xcc: {  	[sflag:s7] =	ssyncadd.s32 $0xFFFFC000  }
.Ltmp3:
0xcd: {  	(pc) =	sbr.rel .LBB2_2-.Ltmp3, $4  }
0xce: {  	s11 =	sadd.s32 $0x10000, s26  }
0xcf: {  	[tilespmem:s28], [sflag:$0x1] =	stream.linear.gather [hbm4b:s11+s2], $0x4000, $0x38;
	[tilespmem:$0x1C200] =	vst v63  }
0xd0: {  	s12 =	sadd.s32 s10, s18;
	s10 =	sadd.s32 $0x800, s10;
	s26 =	sadd.s32 $0x20000, s26  }
0xd1: {  	[tilespmem:s29], [sflag:$0x1] =	stream.linear.gather [hbm4b:s12+s2], $0x100, $0x38;
	[tilespmem:$0x1C200] =	vst v63  }
.LBB2_5:
0xd2: {  	_ =	sfence.sel $0x180000  }
0xd3: {  	[bflag:$0x0] =	sbarrier.arrive $0xFFFF  }
0xd4: {  	_ =	strace $0x90000047  }
0xd5: {  	s0 =	stileid.u32;
	[bflag:$0x2] =	sbarrier.arrive $0xFFFF  }
0xd6: {  	p0 =	sne.s32 s0, $0x0;
	s0 =	rddreg [dreg:$0x5]  }
0xd7: {  	s0 =	sadd.s32 @!p0 $0x100000, s0  }
0xd8: {  	[sflag:s0] =	ssyncadd.tile.s32 @!p0 $0x1;
	_ =	shalt  }
.Lfunc_end2:
_tile_overlayer_lowered:
.L_overlay_start_2:
0xd9: {  	(tag) =	ssettag $0x2  }
0xda: {  	s0 =	rddreg [dreg:$0x0];
	s2 =	stileid.u32  }
0xdb: {  	s1 =	rddreg [dreg:$0x1];
	p0 =	sne.s32 s2, $0x0  }
0xdc: {  	s3 =	rddreg [dreg:$0x2];
	[bflag:$0x3] =	sbarrier.arrive $0xFFFF;
	s2 =	simm.s32 @!p0 $0x1C05  }
0xdd: {  	[timem:s3], [sflag:s2] =	dma.local @!p0 [hbm:s0], s1  }
0xde: {  	s0 =	simm.s32 @!p0 $0x5  }
0xdf: {  	_ =	swait.ge @!p0 [sflag:s0], s1  }
0xe0: {  	s1 =	ssub.s32 @!p0 $0x0, s1;
	[sflag:s0] =	ssyncset.done @!p0 $0x0  }
0xe1: {  	[sflag:s0] =	ssyncadd.s32 @!p0 s1  }
0xe2: {  	[bflag:$0x3] =	sbarrier.arrive $0xFFFF  }
0xe3: {  	_ =	shalt  }

</sc_bundles>
